<compile_context>
chip_gen: v7x
topology: tpu7x:2x2x1
jax: 0.10.2.dev20260603
libtpu: 0.0.44.dev20260713+nightly
codegen_flags: <defaults>
</compile_context>

<pallas_src>
import jax
import jax.numpy as jnp
from jax import lax
from jax.experimental import pallas as pl
from jax.experimental.pallas import tpu as pltpu
from jax.experimental.pallas import tpu_sc as plsc

B = 4096
L = 200
D = 64
OUT = 32
NC = 2
NS = 16
NW = NC * NS
SPB = B // NW
LA = 104
LB = L - LA
NLANE = 16
ND = D // NLANE
NBUF = 4


def _pool_body(x_hbm, table_hbm, out_hbm, idx_v, rows_v, sums_v,
               maxs_v, *sems):
    wid = lax.axis_index("s") * NC + lax.axis_index("c")
    base = wid * SPB

    pltpu.sync_copy(x_hbm.at[pl.ds(base * L, SPB * L)], idx_v)

    def start_gather(s, buf):
        pltpu.async_copy(table_hbm.at[idx_v.at[pl.ds(s * L, LA)]],
                         rows_v.at[buf, pl.ds(0, LA)], sems[buf])
        pltpu.async_copy(table_hbm.at[idx_v.at[pl.ds(s * L + LA, LB)]],
                         rows_v.at[buf, pl.ds(LA, LB)], sems[buf])

    def wait_gather(buf):
        pltpu.make_async_copy(table_hbm.at[pl.ds(0, L)],
                              rows_v.at[buf], sems[buf]).wait()

    def compute(s, buf):
        def body(r, carry):
            sums = list(carry[:ND])
            maxs = list(carry[ND:])
            for d in range(ND):
                v = rows_v[buf, r, pl.ds(d * NLANE, NLANE)]
                sums[d] = sums[d] + v
                maxs[d] = jnp.maximum(maxs[d], v)
            return tuple(sums) + tuple(maxs)

        init = (tuple(jnp.zeros((NLANE,), jnp.float32) for _ in range(ND))
                + tuple(jnp.full((NLANE,), -jnp.inf, jnp.float32)
                        for _ in range(ND)))
        res = lax.fori_loop(0, L, body, init, unroll=8)
        for d in range(ND):
            sums_v[s, pl.ds(d * NLANE, NLANE)] = res[d]
            maxs_v[s, pl.ds(d * NLANE, NLANE)] = res[ND + d]

    for k in range(NBUF - 1):
        start_gather(k, k)

    def outer(i, carry):
        s0 = NBUF * i
        for k in range(NBUF):
            s = s0 + k

            @pl.when(s + NBUF - 1 < SPB)
            def _():
                start_gather(s + NBUF - 1, (k + NBUF - 1) % NBUF)

            wait_gather(k)
            compute(s, k)
        return carry

    lax.fori_loop(0, SPB // NBUF, outer, 0)

    for s in range(NBUF * (SPB // NBUF), SPB):
        wait_gather(s % NBUF)
        compute(s, s % NBUF)

    pltpu.sync_copy(sums_v, out_hbm.at[pl.ds(base, SPB)])
    pltpu.sync_copy(maxs_v, out_hbm.at[pl.ds(B + base, SPB)])


_pool = pl.kernel(
    _pool_body,
    out_type=jax.ShapeDtypeStruct((2 * B, D), jnp.float32),
    mesh=plsc.VectorSubcoreMesh(core_axis_name="c", subcore_axis_name="s"),
    compiler_params=pltpu.CompilerParams(use_tc_tiling_on_sc=False),
    scratch_types=[
        pltpu.VMEM((SPB * L,), jnp.int32),
        pltpu.VMEM((NBUF, L, D), jnp.float32),
        pltpu.VMEM((SPB, D), jnp.float32),
        pltpu.VMEM((SPB, D), jnp.float32),
    ] + [pltpu.SemaphoreType.DMA] * NBUF,
)


def _proj_body(reps_ref, lens_ref, w_ref, b_ref, out_ref):
    reps = reps_ref[...]
    means = reps[:B, :] / lens_ref[...]
    scaled = jnp.concatenate([means, reps[B:, :]], axis=0)
    out_ref[...] = lax.dot_general(
        scaled, w_ref[...], (((1,), (1,)), ((), ())),
        preferred_element_type=jnp.float32) + b_ref[...]


def kernel(x, lengths, emb_table, W, b):
    reps = _pool(x.astype(jnp.int32).reshape(B * L), emb_table)
    lens = lengths[1].astype(jnp.float32).reshape(B, 1)
    return pl.pallas_call(
        _proj_body,
        out_shape=jax.ShapeDtypeStruct((2 * B, OUT), jnp.float32),
    )(reps, lens, W, b.reshape(1, OUT))

# --- scband reference (transcript-rebuilt; emitter-appended) ---
"""Pipeline reference for scband-mean-max-dnn-61795989455605 (READ-ONLY COPY).

The authoritative reference and input builder live on the scoring server;
editing this copy changes nothing except your own understanding.
"""

import jax, jax.numpy as jnp
import numpy as np

VOCAB = 100000
DIM = 64
B = 4096
L = 200
OUT = 32


def setup_inputs(seed: int = 0) -> dict:
    key = jax.random.key(seed)
    k1, k2, k3, k4 = jax.random.split(key, 4)
    # token indices into the embedding table
    x = jax.random.randint(k1, (B, L), 0, VOCAB)
    # lengths is a [2, B] int tensor; row 0 is (unused) batch-size info, row 1 holds
    # the per-sample sequence lengths used for mean pooling. minval=1 avoids div-by-zero
    # (a length-0 sequence is meaningless in the original model).
    lengths = jax.random.randint(k2, (2, B), 1, L + 1)
    # learned parameters (embedding table is pretrained/frozen in the original module)
    emb_table = jax.random.normal(k3, (VOCAB, DIM), dtype=jnp.float32)
    W = jax.random.normal(k4, (OUT, DIM), dtype=jnp.float32) * (1.0 / np.sqrt(DIM))
    b = jnp.zeros((OUT,), dtype=jnp.float32)
    return {"x": x, "lengths": lengths, "emb_table": emb_table, "W": W, "b": b}


def reference(x, lengths, emb_table, W, b):
    # embedding lookup: [B, L] -> [B, L, D]
    embedding = jnp.take(emb_table, x, axis=0)
    # mean pooling over time using provided lengths (lengths[1] per original forward)
    sums = jnp.sum(embedding, axis=1).astype(jnp.float32)          # [B, D]
    lens = lengths[1].reshape(-1, 1).astype(jnp.float32)            # [B, 1] -> broadcast to [B, D]
    means = sums / lens                                             # [B, D]
    # max pooling over time
    maxed = jnp.max(embedding, axis=1).astype(jnp.float32)          # [B, D]
    # original code concatenates along dim=0 -> [2B, D]
    representations = jnp.concatenate([means, maxed], axis=0)       # [2B, D]
    # final linear projection: nn.Linear(emb_dim, output_size)
    logits = representations @ W.T + b                              # [2B, OUT]
    return logits

if __name__ == "__main__":
    import jax
    _d = setup_inputs()
    print(jax.jit(kernel)(*tuple(_d.values())))

</pallas_src>

<mosaic_0001>
#map = affine_map<(d0, d1) -> (0)>
#map1 = affine_map<(d0, d1) -> (0, 0)>
module attributes {stable_mosaic.version = 14 : i64} {
  func.func @_pool_body(%arg0: i32, %arg1: i32, %arg2: memref<819200xi32, #tpu.memory_space<hbm>>, %arg3: memref<100000x64xf32, #tpu.memory_space<hbm>>, %arg4: memref<8192x64xf32, #tpu.memory_space<hbm>>, %arg5: memref<25600xi32, #tpu.memory_space<vmem>>, %arg6: memref<4x200x64xf32, #tpu.memory_space<vmem>>, %arg7: memref<128x64xf32, #tpu.memory_space<vmem>>, %arg8: memref<128x64xf32, #tpu.memory_space<vmem>>, %arg9: memref<!tpu.dma_semaphore, #tpu.memory_space<semaphore_mem>>, %arg10: memref<!tpu.dma_semaphore, #tpu.memory_space<semaphore_mem>>, %arg11: memref<!tpu.dma_semaphore, #tpu.memory_space<semaphore_mem>>, %arg12: memref<!tpu.dma_semaphore, #tpu.memory_space<semaphore_mem>>) attributes {dimension_semantics = [#tpu.dimension_semantics<core_parallel>, #tpu.dimension_semantics<subcore_parallel>], iteration_bounds = array<i64: 2, 16>, scalar_prefetch = 0 : i64, scratch_operands = 8 : i64, tpu.core_type = #tpu.core_type<sc_vector_subcore>, window_params = [{transform_indices = #map}, {transform_indices = #map1}, {transform_indices = #map1}]} {
    %mul3A = arith.constant 2 : i32
    %mul3A_0 = arith.muli %arg1, %mul3A : i32
    %add3A = arith.addi %mul3A_0, %arg0 : i32
    %mul3A_1 = arith.constant 128 : i32
    %mul3A_2 = arith.muli %add3A, %mul3A_1 : i32
    %mul3A_3 = arith.constant 200 : i32
    %mul3A_4 = arith.muli %mul3A_2, %mul3A_3 : i32
    "tpu.region"() ({
      %run_scoped3A = tpu.sem_alloc : memref<!tpu.dma_semaphore, #tpu.memory_space<semaphore_mem>>
      %dma_start3A_71 = tpu.memref_slice %arg2[%mul3A_4] : memref<819200xi32, #tpu.memory_space<hbm>> -> memref<25600xi32, #tpu.memory_space<hbm>>
      %dma_start3A_72 = tpu.memref_slice %arg2[%mul3A_4] : memref<819200xi32, #tpu.memory_space<hbm>> -> memref<25600xi32, #tpu.memory_space<hbm>>
      tpu.enqueue_dma source(%dma_start3A_72 : memref<25600xi32, #tpu.memory_space<hbm>>) target(%arg5 : memref<25600xi32, #tpu.memory_space<vmem>>) target_semaphore(%run_scoped3A : memref<!tpu.dma_semaphore, #tpu.memory_space<semaphore_mem>>)
      %dma_wait3A = tpu.memref_slice %arg2[%mul3A_4] : memref<819200xi32, #tpu.memory_space<hbm>> -> memref<25600xi32, #tpu.memory_space<hbm>>
      %dma_wait3A_73 = tpu.memref_slice %arg2[%mul3A_4] : memref<819200xi32, #tpu.memory_space<hbm>> -> memref<25600xi32, #tpu.memory_space<hbm>>
      tpu.wait_dma2 semaphore(%run_scoped3A : memref<!tpu.dma_semaphore, #tpu.memory_space<semaphore_mem>>) src(%dma_wait3A_73 : memref<25600xi32, #tpu.memory_space<hbm>>) dst(%arg5 : memref<25600xi32, #tpu.memory_space<vmem>>)
      tpu.yield
    }) : () -> ()
    %dma_start3A = arith.constant 0 : i32
    %dma_start3A_5 = arith.constant 0 : i32
    %dma_start3A_6 = arith.constant 0 : i32
    %dma_start3A_7 = tpu.memref_slice %arg6[%dma_start3A, %dma_start3A_5, %dma_start3A_6] : memref<4x200x64xf32, #tpu.memory_space<vmem>> -> memref<1x104x64xf32, #tpu.memory_space<vmem>>
    %dma_start3A_8 = tpu.memref_squeeze %dma_start3A_7 : memref<1x104x64xf32, #tpu.memory_space<vmem>> -> memref<104x64xf32, #tpu.memory_space<vmem>>
    %dma_start3A_9 = arith.constant 0 : i32
    %dma_start3A_10 = tpu.memref_slice %arg5[%dma_start3A_9] : memref<25600xi32, #tpu.memory_space<vmem>> -> memref<104xi32, #tpu.memory_space<vmem>>
    %dma_start3A_11 = arith.constant 0 : i32
    %dma_start3A_12 = arith.constant 0 : i32
    %dma_start3A_13 = tpu.memref_slice %arg3[%dma_start3A_11, %dma_start3A_12] : memref<100000x64xf32, #tpu.memory_space<hbm>> -> memref<100000x64xf32, #tpu.memory_space<hbm>>
    tpu.enqueue_indirect_dma source(%dma_start3A_13 : memref<100000x64xf32, #tpu.memory_space<hbm>>) target(%dma_start3A_8 : memref<104x64xf32, #tpu.memory_space<vmem>>) offsets(%dma_start3A_10 : memref<104xi32, #tpu.memory_space<vmem>>) semaphore(%arg9 : memref<!tpu.dma_semaphore, #tpu.memory_space<semaphore_mem>>)
    %dma_start3A_14 = arith.constant 0 : i32
    %dma_start3A_15 = arith.constant 104 : i32
    %dma_start3A_16 = arith.constant 0 : i32
    %dma_start3A_17 = tpu.memref_slice %arg6[%dma_start3A_14, %dma_start3A_15, %dma_start3A_16] : memref<4x200x64xf32, #tpu.memory_space<vmem>> -> memref<1x96x64xf32, #tpu.memory_space<vmem>>
    %dma_start3A_18 = tpu.memref_squeeze %dma_start3A_17 : memref<1x96x64xf32, #tpu.memory_space<vmem>> -> memref<96x64xf32, #tpu.memory_space<vmem>>
    %dma_start3A_19 = arith.constant 104 : i32
    %dma_start3A_20 = tpu.memref_slice %arg5[%dma_start3A_19] : memref<25600xi32, #tpu.memory_space<vmem>> -> memref<96xi32, #tpu.memory_space<vmem>>
    %dma_start3A_21 = arith.constant 0 : i32
    %dma_start3A_22 = arith.constant 0 : i32
    %dma_start3A_23 = tpu.memref_slice %arg3[%dma_start3A_21, %dma_start3A_22] : memref<100000x64xf32, #tpu.memory_space<hbm>> -> memref<100000x64xf32, #tpu.memory_space<hbm>>
    tpu.enqueue_indirect_dma source(%dma_start3A_23 : memref<100000x64xf32, #tpu.memory_space<hbm>>) target(%dma_start3A_18 : memref<96x64xf32, #tpu.memory_space<vmem>>) offsets(%dma_start3A_20 : memref<96xi32, #tpu.memory_space<vmem>>) semaphore(%arg9 : memref<!tpu.dma_semaphore, #tpu.memory_space<semaphore_mem>>)
    %dma_start3A_24 = arith.constant 1 : i32
    %dma_start3A_25 = arith.constant 0 : i32
    %dma_start3A_26 = arith.constant 0 : i32
    %dma_start3A_27 = tpu.memref_slice %arg6[%dma_start3A_24, %dma_start3A_25, %dma_start3A_26] : memref<4x200x64xf32, #tpu.memory_space<vmem>> -> memref<1x104x64xf32, #tpu.memory_space<vmem>>
    %dma_start3A_28 = tpu.memref_squeeze %dma_start3A_27 : memref<1x104x64xf32, #tpu.memory_space<vmem>> -> memref<104x64xf32, #tpu.memory_space<vmem>>
    %dma_start3A_29 = arith.constant 200 : i32
    %dma_start3A_30 = tpu.memref_slice %arg5[%dma_start3A_29] : memref<25600xi32, #tpu.memory_space<vmem>> -> memref<104xi32, #tpu.memory_space<vmem>>
    %dma_start3A_31 = arith.constant 0 : i32
    %dma_start3A_32 = arith.constant 0 : i32
    %dma_start3A_33 = tpu.memref_slice %arg3[%dma_start3A_31, %dma_start3A_32] : memref<100000x64xf32, #tpu.memory_space<hbm>> -> memref<100000x64xf32, #tpu.memory_space<hbm>>
    tpu.enqueue_indirect_dma source(%dma_start3A_33 : memref<100000x64xf32, #tpu.memory_space<hbm>>) target(%dma_start3A_28 : memref<104x64xf32, #tpu.memory_space<vmem>>) offsets(%dma_start3A_30 : memref<104xi32, #tpu.memory_space<vmem>>) semaphore(%arg10 : memref<!tpu.dma_semaphore, #tpu.memory_space<semaphore_mem>>)
    %dma_start3A_34 = arith.constant 1 : i32
    %dma_start3A_35 = arith.constant 104 : i32
    %dma_start3A_36 = arith.constant 0 : i32
    %dma_start3A_37 = tpu.memref_slice %arg6[%dma_start3A_34, %dma_start3A_35, %dma_start3A_36] : memref<4x200x64xf32, #tpu.memory_space<vmem>> -> memref<1x96x64xf32, #tpu.memory_space<vmem>>
    %dma_start3A_38 = tpu.memref_squeeze %dma_start3A_37 : memref<1x96x64xf32, #tpu.memory_space<vmem>> -> memref<96x64xf32, #tpu.memory_space<vmem>>
    %dma_start3A_39 = arith.constant 304 : i32
    %dma_start3A_40 = tpu.memref_slice %arg5[%dma_start3A_39] : memref<25600xi32, #tpu.memory_space<vmem>> -> memref<96xi32, #tpu.memory_space<vmem>>
    %dma_start3A_41 = arith.constant 0 : i32
    %dma_start3A_42 = arith.constant 0 : i32
    %dma_start3A_43 = tpu.memref_slice %arg3[%dma_start3A_41, %dma_start3A_42] : memref<100000x64xf32, #tpu.memory_space<hbm>> -> memref<100000x64xf32, #tpu.memory_space<hbm>>
    tpu.enqueue_indirect_dma source(%dma_start3A_43 : memref<100000x64xf32, #tpu.memory_space<hbm>>) target(%dma_start3A_38 : memref<96x64xf32, #tpu.memory_space<vmem>>) offsets(%dma_start3A_40 : memref<96xi32, #tpu.memory_space<vmem>>) semaphore(%arg10 : memref<!tpu.dma_semaphore, #tpu.memory_space<semaphore_mem>>)
    %dma_start3A_44 = arith.constant 2 : i32
    %dma_start3A_45 = arith.constant 0 : i32
    %dma_start3A_46 = arith.constant 0 : i32
    %dma_start3A_47 = tpu.memref_slice %arg6[%dma_start3A_44, %dma_start3A_45, %dma_start3A_46] : memref<4x200x64xf32, #tpu.memory_space<vmem>> -> memref<1x104x64xf32, #tpu.memory_space<vmem>>
    %dma_start3A_48 = tpu.memref_squeeze %dma_start3A_47 : memref<1x104x64xf32, #tpu.memory_space<vmem>> -> memref<104x64xf32, #tpu.memory_space<vmem>>
    %dma_start3A_49 = arith.constant 400 : i32
    %dma_start3A_50 = tpu.memref_slice %arg5[%dma_start3A_49] : memref<25600xi32, #tpu.memory_space<vmem>> -> memref<104xi32, #tpu.memory_space<vmem>>
    %dma_start3A_51 = arith.constant 0 : i32
    %dma_start3A_52 = arith.constant 0 : i32
    %dma_start3A_53 = tpu.memref_slice %arg3[%dma_start3A_51, %dma_start3A_52] : memref<100000x64xf32, #tpu.memory_space<hbm>> -> memref<100000x64xf32, #tpu.memory_space<hbm>>
    tpu.enqueue_indirect_dma source(%dma_start3A_53 : memref<100000x64xf32, #tpu.memory_space<hbm>>) target(%dma_start3A_48 : memref<104x64xf32, #tpu.memory_space<vmem>>) offsets(%dma_start3A_50 : memref<104xi32, #tpu.memory_space<vmem>>) semaphore(%arg11 : memref<!tpu.dma_semaphore, #tpu.memory_space<semaphore_mem>>)
    %dma_start3A_54 = arith.constant 2 : i32
    %dma_start3A_55 = arith.constant 104 : i32
    %dma_start3A_56 = arith.constant 0 : i32
    %dma_start3A_57 = tpu.memref_slice %arg6[%dma_start3A_54, %dma_start3A_55, %dma_start3A_56] : memref<4x200x64xf32, #tpu.memory_space<vmem>> -> memref<1x96x64xf32, #tpu.memory_space<vmem>>
    %dma_start3A_58 = tpu.memref_squeeze %dma_start3A_57 : memref<1x96x64xf32, #tpu.memory_space<vmem>> -> memref<96x64xf32, #tpu.memory_space<vmem>>
    %dma_start3A_59 = arith.constant 504 : i32
    %dma_start3A_60 = tpu.memref_slice %arg5[%dma_start3A_59] : memref<25600xi32, #tpu.memory_space<vmem>> -> memref<96xi32, #tpu.memory_space<vmem>>
    %dma_start3A_61 = arith.constant 0 : i32
    %dma_start3A_62 = arith.constant 0 : i32
    %dma_start3A_63 = tpu.memref_slice %arg3[%dma_start3A_61, %dma_start3A_62] : memref<100000x64xf32, #tpu.memory_space<hbm>> -> memref<100000x64xf32, #tpu.memory_space<hbm>>
    tpu.enqueue_indirect_dma source(%dma_start3A_63 : memref<100000x64xf32, #tpu.memory_space<hbm>>) target(%dma_start3A_58 : memref<96x64xf32, #tpu.memory_space<vmem>>) offsets(%dma_start3A_60 : memref<96xi32, #tpu.memory_space<vmem>>) semaphore(%arg11 : memref<!tpu.dma_semaphore, #tpu.memory_space<semaphore_mem>>)
    %scan3A = arith.constant 0 : i32
    %scan3A_64 = arith.constant 0 : i32
    %scan3A_65 = arith.constant 32 : i32
    %scan3A_66 = arith.addi %scan3A_64, %scan3A_65 : i32
    %scan3A_67 = arith.constant 1 : i32
    scf.for %scan3A_71 = %scan3A_64 to %scan3A_66 step %scan3A_67  : i32 {
      %mul3A_72 = arith.constant 4 : i32
      %mul3A_73 = arith.muli %mul3A_72, %scan3A_71 : i32
      %add3A_74 = arith.constant 0 : i32
      %add3A_75 = arith.addi %mul3A_73, %add3A_74 : i32
      %add3A_76 = arith.constant 4 : i32
      %add3A_77 = arith.addi %add3A_75, %add3A_76 : i32
      %sub3A = arith.constant 1 : i32
      %sub3A_78 = arith.subi %add3A_77, %sub3A : i32
      %lt3A = arith.constant 128 : i32
      %lt3A_79 = arith.cmpi slt, %sub3A_78, %lt3A : i32
      %convert_element_type3A = arith.extui %lt3A_79 : i1 to i32
      %cond3A = arith.constant 0 : i32
      %cond3A_80 = arith.cmpi ne, %convert_element_type3A, %cond3A : i32
      scf.if %cond3A_80 {
        %add3A_419 = arith.constant 4 : i32
        %add3A_420 = arith.addi %add3A_75, %add3A_419 : i32
        %sub3A_421 = arith.constant 1 : i32
        %sub3A_422 = arith.subi %add3A_420, %sub3A_421 : i32
        %mul3A_423 = arith.constant 200 : i32
        %mul3A_424 = arith.muli %sub3A_422, %mul3A_423 : i32
        %dma_start3A_425 = arith.constant 3 : i32
        %dma_start3A_426 = arith.constant 0 : i32
        %dma_start3A_427 = arith.constant 0 : i32
        %dma_start3A_428 = tpu.memref_slice %arg6[%dma_start3A_425, %dma_start3A_426, %dma_start3A_427] : memref<4x200x64xf32, #tpu.memory_space<vmem>> -> memref<1x104x64xf32, #tpu.memory_space<vmem>>
        %dma_start3A_429 = tpu.memref_squeeze %dma_start3A_428 : memref<1x104x64xf32, #tpu.memory_space<vmem>> -> memref<104x64xf32, #tpu.memory_space<vmem>>
        %dma_start3A_430 = tpu.memref_slice %arg5[%mul3A_424] : memref<25600xi32, #tpu.memory_space<vmem>> -> memref<104xi32, #tpu.memory_space<vmem>>
        %dma_start3A_431 = arith.constant 0 : i32
        %dma_start3A_432 = arith.constant 0 : i32
        %dma_start3A_433 = tpu.memref_slice %arg3[%dma_start3A_431, %dma_start3A_432] : memref<100000x64xf32, #tpu.memory_space<hbm>> -> memref<100000x64xf32, #tpu.memory_space<hbm>>
        tpu.enqueue_indirect_dma source(%dma_start3A_433 : memref<100000x64xf32, #tpu.memory_space<hbm>>) target(%dma_start3A_429 : memref<104x64xf32, #tpu.memory_space<vmem>>) offsets(%dma_start3A_430 : memref<104xi32, #tpu.memory_space<vmem>>) semaphore(%arg12 : memref<!tpu.dma_semaphore, #tpu.memory_space<semaphore_mem>>)
        %mul3A_434 = arith.constant 200 : i32
        %mul3A_435 = arith.muli %sub3A_422, %mul3A_434 : i32
        %add3A_436 = arith.constant 104 : i32
        %add3A_437 = arith.addi %mul3A_435, %add3A_436 : i32
        %dma_start3A_438 = arith.constant 3 : i32
        %dma_start3A_439 = arith.constant 104 : i32
        %dma_start3A_440 = arith.constant 0 : i32
        %dma_start3A_441 = tpu.memref_slice %arg6[%dma_start3A_438, %dma_start3A_439, %dma_start3A_440] : memref<4x200x64xf32, #tpu.memory_space<vmem>> -> memref<1x96x64xf32, #tpu.memory_space<vmem>>
        %dma_start3A_442 = tpu.memref_squeeze %dma_start3A_441 : memref<1x96x64xf32, #tpu.memory_space<vmem>> -> memref<96x64xf32, #tpu.memory_space<vmem>>
        %dma_start3A_443 = tpu.memref_slice %arg5[%add3A_437] : memref<25600xi32, #tpu.memory_space<vmem>> -> memref<96xi32, #tpu.memory_space<vmem>>
        %dma_start3A_444 = arith.constant 0 : i32
        %dma_start3A_445 = arith.constant 0 : i32
        %dma_start3A_446 = tpu.memref_slice %arg3[%dma_start3A_444, %dma_start3A_445] : memref<100000x64xf32, #tpu.memory_space<hbm>> -> memref<100000x64xf32, #tpu.memory_space<hbm>>
        tpu.enqueue_indirect_dma source(%dma_start3A_446 : memref<100000x64xf32, #tpu.memory_space<hbm>>) target(%dma_start3A_442 : memref<96x64xf32, #tpu.memory_space<vmem>>) offsets(%dma_start3A_443 : memref<96xi32, #tpu.memory_space<vmem>>) semaphore(%arg12 : memref<!tpu.dma_semaphore, #tpu.memory_space<semaphore_mem>>)
      } else {
      }
      %dma_wait3A = arith.constant 0 : i32
      %dma_wait3A_81 = arith.constant 0 : i32
      %dma_wait3A_82 = arith.constant 0 : i32
      %dma_wait3A_83 = tpu.memref_slice %arg6[%dma_wait3A, %dma_wait3A_81, %dma_wait3A_82] : memref<4x200x64xf32, #tpu.memory_space<vmem>> -> memref<1x200x64xf32, #tpu.memory_space<vmem>>
      %dma_wait3A_84 = tpu.memref_squeeze %dma_wait3A_83 : memref<1x200x64xf32, #tpu.memory_space<vmem>> -> memref<200x64xf32, #tpu.memory_space<vmem>>
      %dma_wait3A_85 = arith.constant 0 : i32
      %dma_wait3A_86 = arith.constant 0 : i32
      %dma_wait3A_87 = tpu.memref_slice %arg3[%dma_wait3A_85, %dma_wait3A_86] : memref<100000x64xf32, #tpu.memory_space<hbm>> -> memref<200x64xf32, #tpu.memory_space<hbm>>
      %dma_wait3A_88 = arith.constant 0 : i32
      %dma_wait3A_89 = arith.constant 0 : i32
      %dma_wait3A_90 = tpu.memref_slice %arg6[%dma_wait3A, %dma_wait3A_88, %dma_wait3A_89] : memref<4x200x64xf32, #tpu.memory_space<vmem>> -> memref<1x200x64xf32, #tpu.memory_space<vmem>>
      %dma_wait3A_91 = tpu.memref_squeeze %dma_wait3A_90 : memref<1x200x64xf32, #tpu.memory_space<vmem>> -> memref<200x64xf32, #tpu.memory_space<vmem>>
      %dma_wait3A_92 = arith.constant 0 : i32
      %dma_wait3A_93 = arith.constant 0 : i32
      %dma_wait3A_94 = tpu.memref_slice %arg3[%dma_wait3A_92, %dma_wait3A_93] : memref<100000x64xf32, #tpu.memory_space<hbm>> -> memref<200x64xf32, #tpu.memory_space<hbm>>
      tpu.wait_dma2 semaphore(%arg9 : memref<!tpu.dma_semaphore, #tpu.memory_space<semaphore_mem>>) src(%dma_wait3A_94 : memref<200x64xf32, #tpu.memory_space<hbm>>) dst(%dma_wait3A_91 : memref<200x64xf32, #tpu.memory_space<vmem>>)
      %broadcast_in_dim3A = arith.constant 0.000000e+00 : f32
      %broadcast_in_dim3A_95 = vector.broadcast %broadcast_in_dim3A : f32 to vector<16xf32>
      %broadcast_in_dim3A_96 = arith.constant 0.000000e+00 : f32
      %broadcast_in_dim3A_97 = vector.broadcast %broadcast_in_dim3A_96 : f32 to vector<16xf32>
      %broadcast_in_dim3A_98 = arith.constant 0.000000e+00 : f32
      %broadcast_in_dim3A_99 = vector.broadcast %broadcast_in_dim3A_98 : f32 to vector<16xf32>
      %broadcast_in_dim3A_100 = arith.constant 0.000000e+00 : f32
      %broadcast_in_dim3A_101 = vector.broadcast %broadcast_in_dim3A_100 : f32 to vector<16xf32>
      %broadcast_in_dim3A_102 = arith.constant 0xFF800000 : f32
      %broadcast_in_dim3A_103 = vector.broadcast %broadcast_in_dim3A_102 : f32 to vector<16xf32>
      %broadcast_in_dim3A_104 = arith.constant 0xFF800000 : f32
      %broadcast_in_dim3A_105 = vector.broadcast %broadcast_in_dim3A_104 : f32 to vector<16xf32>
      %broadcast_in_dim3A_106 = arith.constant 0xFF800000 : f32
      %broadcast_in_dim3A_107 = vector.broadcast %broadcast_in_dim3A_106 : f32 to vector<16xf32>
      %broadcast_in_dim3A_108 = arith.constant 0xFF800000 : f32
      %broadcast_in_dim3A_109 = vector.broadcast %broadcast_in_dim3A_108 : f32 to vector<16xf32>
      %scan3A_110 = arith.constant 0 : i32
      %scan3A_111 = arith.constant 200 : i32
      %scan3A_112 = arith.addi %scan3A_110, %scan3A_111 : i32
      %scan3A_113 = arith.constant 8 : i32
      %scan3A_114:8 = scf.for %scan3A_419 = %scan3A_110 to %scan3A_112 step %scan3A_113 iter_args(%scan3A_420 = %broadcast_in_dim3A_95, %scan3A_421 = %broadcast_in_dim3A_97, %scan3A_422 = %broadcast_in_dim3A_99, %scan3A_423 = %broadcast_in_dim3A_101, %scan3A_424 = %broadcast_in_dim3A_103, %scan3A_425 = %broadcast_in_dim3A_105, %scan3A_426 = %broadcast_in_dim3A_107, %scan3A_427 = %broadcast_in_dim3A_109) -> (vector<16xf32>, vector<16xf32>, vector<16xf32>, vector<16xf32>, vector<16xf32>, vector<16xf32>, vector<16xf32>, vector<16xf32>)  : i32 {
        %get3A = arith.constant 0 : i32
        %get3A_428 = arith.index_cast %get3A : i32 to index
        %get3A_429 = arith.index_cast %scan3A_419 : i32 to index
        %get3A_430 = arith.constant 0 : index
        %get3A_431 = tpu.vector_load %arg6[%get3A_428, %get3A_429, %get3A_430] {strides = array<i32>} : memref<4x200x64xf32, #tpu.memory_space<vmem>>, vector<1x1x16xf32>,
        %get3A_432 = vector.shape_cast %get3A_431 : vector<1x1x16xf32> to vector<16xf32>
        %add3A_433 = arith.addf %scan3A_420, %get3A_432 : vector<16xf32>
        %max3A = arith.maximumf %scan3A_424, %get3A_432 : vector<16xf32>
        %get3A_434 = arith.constant 0 : i32
        %get3A_435 = arith.index_cast %get3A_434 : i32 to index
        %get3A_436 = arith.index_cast %scan3A_419 : i32 to index
        %get3A_437 = arith.constant 16 : index
        %get3A_438 = tpu.vector_load %arg6[%get3A_435, %get3A_436, %get3A_437] {strides = array<i32>} : memref<4x200x64xf32, #tpu.memory_space<vmem>>, vector<1x1x16xf32>,
        %get3A_439 = vector.shape_cast %get3A_438 : vector<1x1x16xf32> to vector<16xf32>
        %add3A_440 = arith.addf %scan3A_421, %get3A_439 : vector<16xf32>
        %max3A_441 = arith.maximumf %scan3A_425, %get3A_439 : vector<16xf32>
        %get3A_442 = arith.constant 0 : i32
        %get3A_443 = arith.index_cast %get3A_442 : i32 to index
        %get3A_444 = arith.index_cast %scan3A_419 : i32 to index
        %get3A_445 = arith.constant 32 : index
        %get3A_446 = tpu.vector_load %arg6[%get3A_443, %get3A_444, %get3A_445] {strides = array<i32>} : memref<4x200x64xf32, #tpu.memory_space<vmem>>, vector<1x1x16xf32>,
        %get3A_447 = vector.shape_cast %get3A_446 : vector<1x1x16xf32> to vector<16xf32>
        %add3A_448 = arith.addf %scan3A_422, %get3A_447 : vector<16xf32>
        %max3A_449 = arith.maximumf %scan3A_426, %get3A_447 : vector<16xf32>
        %get3A_450 = arith.constant 0 : i32
        %get3A_451 = arith.index_cast %get3A_450 : i32 to index
        %get3A_452 = arith.index_cast %scan3A_419 : i32 to index
        %get3A_453 = arith.constant 48 : index
        %get3A_454 = tpu.vector_load %arg6[%get3A_451, %get3A_452, %get3A_453] {strides = array<i32>} : memref<4x200x64xf32, #tpu.memory_space<vmem>>, vector<1x1x16xf32>,
        %get3A_455 = vector.shape_cast %get3A_454 : vector<1x1x16xf32> to vector<16xf32>
        %add3A_456 = arith.addf %scan3A_423, %get3A_455 : vector<16xf32>
        %max3A_457 = arith.maximumf %scan3A_427, %get3A_455 : vector<16xf32>
        %scan3A_458 = arith.constant 1 : i32
        %scan3A_459 = arith.addi %scan3A_419, %scan3A_458 : i32
        %get3A_460 = arith.constant 0 : i32
        %get3A_461 = arith.index_cast %get3A_460 : i32 to index
        %get3A_462 = arith.index_cast %scan3A_459 : i32 to index
        %get3A_463 = arith.constant 0 : index
        %get3A_464 = tpu.vector_load %arg6[%get3A_461, %get3A_462, %get3A_463] {strides = array<i32>} : memref<4x200x64xf32, #tpu.memory_space<vmem>>, vector<1x1x16xf32>,
        %get3A_465 = vector.shape_cast %get3A_464 : vector<1x1x16xf32> to vector<16xf32>
        %add3A_466 = arith.addf %add3A_433, %get3A_465 : vector<16xf32>
        %max3A_467 = arith.maximumf %max3A, %get3A_465 : vector<16xf32>
        %get3A_468 = arith.constant 0 : i32
        %get3A_469 = arith.index_cast %get3A_468 : i32 to index
        %get3A_470 = arith.index_cast %scan3A_459 : i32 to index
        %get3A_471 = arith.constant 16 : index
        %get3A_472 = tpu.vector_load %arg6[%get3A_469, %get3A_470, %get3A_471] {strides = array<i32>} : memref<4x200x64xf32, #tpu.memory_space<vmem>>, vector<1x1x16xf32>,
        %get3A_473 = vector.shape_cast %get3A_472 : vector<1x1x16xf32> to vector<16xf32>
        %add3A_474 = arith.addf %add3A_440, %get3A_473 : vector<16xf32>
        %max3A_475 = arith.maximumf %max3A_441, %get3A_473 : vector<16xf32>
        %get3A_476 = arith.constant 0 : i32
        %get3A_477 = arith.index_cast %get3A_476 : i32 to index
        %get3A_478 = arith.index_cast %scan3A_459 : i32 to index
        %get3A_479 = arith.constant 32 : index
        %get3A_480 = tpu.vector_load %arg6[%get3A_477, %get3A_478, %get3A_479] {strides = array<i32>} : memref<4x200x64xf32, #tpu.memory_space<vmem>>, vector<1x1x16xf32>,
        %get3A_481 = vector.shape_cast %get3A_480 : vector<1x1x16xf32> to vector<16xf32>
        %add3A_482 = arith.addf %add3A_448, %get3A_481 : vector<16xf32>
        %max3A_483 = arith.maximumf %max3A_449, %get3A_481 : vector<16xf32>
        %get3A_484 = arith.constant 0 : i32
        %get3A_485 = arith.index_cast %get3A_484 : i32 to index
        %get3A_486 = arith.index_cast %scan3A_459 : i32 to index
        %get3A_487 = arith.constant 48 : index
        %get3A_488 = tpu.vector_load %arg6[%get3A_485, %get3A_486, %get3A_487] {strides = array<i32>} : memref<4x200x64xf32, #tpu.memory_space<vmem>>, vector<1x1x16xf32>,
        %get3A_489 = vector.shape_cast %get3A_488 : vector<1x1x16xf32> to vector<16xf32>
        %add3A_490 = arith.addf %add3A_456, %get3A_489 : vector<16xf32>
        %max3A_491 = arith.maximumf %max3A_457, %get3A_489 : vector<16xf32>
        %scan3A_492 = arith.constant 2 : i32
        %scan3A_493 = arith.addi %scan3A_419, %scan3A_492 : i32
        %get3A_494 = arith.constant 0 : i32
        %get3A_495 = arith.index_cast %get3A_494 : i32 to index
        %get3A_496 = arith.index_cast %scan3A_493 : i32 to index
        %get3A_497 = arith.constant 0 : index
        %get3A_498 = tpu.vector_load %arg6[%get3A_495, %get3A_496, %get3A_497] {strides = array<i32>} : memref<4x200x64xf32, #tpu.memory_space<vmem>>, vector<1x1x16xf32>,
        %get3A_499 = vector.shape_cast %get3A_498 : vector<1x1x16xf32> to vector<16xf32>
        %add3A_500 = arith.addf %add3A_466, %get3A_499 : vector<16xf32>
        %max3A_501 = arith.maximumf %max3A_467, %get3A_499 : vector<16xf32>
        %get3A_502 = arith.constant 0 : i32
        %get3A_503 = arith.index_cast %get3A_502 : i32 to index
        %get3A_504 = arith.index_cast %scan3A_493 : i32 to index
        %get3A_505 = arith.constant 16 : index
        %get3A_506 = tpu.vector_load %arg6[%get3A_503, %get3A_504, %get3A_505] {strides = array<i32>} : memref<4x200x64xf32, #tpu.memory_space<vmem>>, vector<1x1x16xf32>,
        %get3A_507 = vector.shape_cast %get3A_506 : vector<1x1x16xf32> to vector<16xf32>
        %add3A_508 = arith.addf %add3A_474, %get3A_507 : vector<16xf32>
        %max3A_509 = arith.maximumf %max3A_475, %get3A_507 : vector<16xf32>
        %get3A_510 = arith.constant 0 : i32
        %get3A_511 = arith.index_cast %get3A_510 : i32 to index
        %get3A_512 = arith.index_cast %scan3A_493 : i32 to index
        %get3A_513 = arith.constant 32 : index
        %get3A_514 = tpu.vector_load %arg6[%get3A_511, %get3A_512, %get3A_513] {strides = array<i32>} : memref<4x200x64xf32, #tpu.memory_space<vmem>>, vector<1x1x16xf32>,
        %get3A_515 = vector.shape_cast %get3A_514 : vector<1x1x16xf32> to vector<16xf32>
        %add3A_516 = arith.addf %add3A_482, %get3A_515 : vector<16xf32>
        %max3A_517 = arith.maximumf %max3A_483, %get3A_515 : vector<16xf32>
        %get3A_518 = arith.constant 0 : i32
        %get3A_519 = arith.index_cast %get3A_518 : i32 to index
        %get3A_520 = arith.index_cast %scan3A_493 : i32 to index
        %get3A_521 = arith.constant 48 : index
        %get3A_522 = tpu.vector_load %arg6[%get3A_519, %get3A_520, %get3A_521] {strides = array<i32>} : memref<4x200x64xf32, #tpu.memory_space<vmem>>, vector<1x1x16xf32>,
        %get3A_523 = vector.shape_cast %get3A_522 : vector<1x1x16xf32> to vector<16xf32>
        %add3A_524 = arith.addf %add3A_490, %get3A_523 : vector<16xf32>
        %max3A_525 = arith.maximumf %max3A_491, %get3A_523 : vector<16xf32>
        %scan3A_526 = arith.constant 3 : i32
        %scan3A_527 = arith.addi %scan3A_419, %scan3A_526 : i32
        %get3A_528 = arith.constant 0 : i32
        %get3A_529 = arith.index_cast %get3A_528 : i32 to index
        %get3A_530 = arith.index_cast %scan3A_527 : i32 to index
        %get3A_531 = arith.constant 0 : index
        %get3A_532 = tpu.vector_load %arg6[%get3A_529, %get3A_530, %get3A_531] {strides = array<i32>} : memref<4x200x64xf32, #tpu.memory_space<vmem>>, vector<1x1x16xf32>,
        %get3A_533 = vector.shape_cast %get3A_532 : vector<1x1x16xf32> to vector<16xf32>
        %add3A_534 = arith.addf %add3A_500, %get3A_533 : vector<16xf32>
        %max3A_535 = arith.maximumf %max3A_501, %get3A_533 : vector<16xf32>
        %get3A_536 = arith.constant 0 : i32
        %get3A_537 = arith.index_cast %get3A_536 : i32 to index
        %get3A_538 = arith.index_cast %scan3A_527 : i32 to index
        %get3A_539 = arith.constant 16 : index
        %get3A_540 = tpu.vector_load %arg6[%get3A_537, %get3A_538, %get3A_539] {strides = array<i32>} : memref<4x200x64xf32, #tpu.memory_space<vmem>>, vector<1x1x16xf32>,
        %get3A_541 = vector.shape_cast %get3A_540 : vector<1x1x16xf32> to vector<16xf32>
        %add3A_542 = arith.addf %add3A_508, %get3A_541 : vector<16xf32>
        %max3A_543 = arith.maximumf %max3A_509, %get3A_541 : vector<16xf32>
        %get3A_544 = arith.constant 0 : i32
        %get3A_545 = arith.index_cast %get3A_544 : i32 to index
        %get3A_546 = arith.index_cast %scan3A_527 : i32 to index
        %get3A_547 = arith.constant 32 : index
        %get3A_548 = tpu.vector_load %arg6[%get3A_545, %get3A_546, %get3A_547] {strides = array<i32>} : memref<4x200x64xf32, #tpu.memory_space<vmem>>, vector<1x1x16xf32>,
        %get3A_549 = vector.shape_cast %get3A_548 : vector<1x1x16xf32> to vector<16xf32>
        %add3A_550 = arith.addf %add3A_516, %get3A_549 : vector<16xf32>
        %max3A_551 = arith.maximumf %max3A_517, %get3A_549 : vector<16xf32>
        %get3A_552 = arith.constant 0 : i32
        %get3A_553 = arith.index_cast %get3A_552 : i32 to index
        %get3A_554 = arith.index_cast %scan3A_527 : i32 to index
        %get3A_555 = arith.constant 48 : index
        %get3A_556 = tpu.vector_load %arg6[%get3A_553, %get3A_554, %get3A_555] {strides = array<i32>} : memref<4x200x64xf32, #tpu.memory_space<vmem>>, vector<1x1x16xf32>,
        %get3A_557 = vector.shape_cast %get3A_556 : vector<1x1x16xf32> to vector<16xf32>
        %add3A_558 = arith.addf %add3A_524, %get3A_557 : vector<16xf32>
        %max3A_559 = arith.maximumf %max3A_525, %get3A_557 : vector<16xf32>
        %scan3A_560 = arith.constant 4 : i32
        %scan3A_561 = arith.addi %scan3A_419, %scan3A_560 : i32
        %get3A_562 = arith.constant 0 : i32
        %get3A_563 = arith.index_cast %get3A_562 : i32 to index
        %get3A_564 = arith.index_cast %scan3A_561 : i32 to index
        %get3A_565 = arith.constant 0 : index
        %get3A_566 = tpu.vector_load %arg6[%get3A_563, %get3A_564, %get3A_565] {strides = array<i32>} : memref<4x200x64xf32, #tpu.memory_space<vmem>>, vector<1x1x16xf32>,
        %get3A_567 = vector.shape_cast %get3A_566 : vector<1x1x16xf32> to vector<16xf32>
        %add3A_568 = arith.addf %add3A_534, %get3A_567 : vector<16xf32>
        %max3A_569 = arith.maximumf %max3A_535, %get3A_567 : vector<16xf32>
        %get3A_570 = arith.constant 0 : i32
        %get3A_571 = arith.index_cast %get3A_570 : i32 to index
        %get3A_572 = arith.index_cast %scan3A_561 : i32 to index
        %get3A_573 = arith.constant 16 : index
        %get3A_574 = tpu.vector_load %arg6[%get3A_571, %get3A_572, %get3A_573] {strides = array<i32>} : memref<4x200x64xf32, #tpu.memory_space<vmem>>, vector<1x1x16xf32>,
        %get3A_575 = vector.shape_cast %get3A_574 : vector<1x1x16xf32> to vector<16xf32>
        %add3A_576 = arith.addf %add3A_542, %get3A_575 : vector<16xf32>
        %max3A_577 = arith.maximumf %max3A_543, %get3A_575 : vector<16xf32>
        %get3A_578 = arith.constant 0 : i32
        %get3A_579 = arith.index_cast %get3A_578 : i32 to index
        %get3A_580 = arith.index_cast %scan3A_561 : i32 to index
        %get3A_581 = arith.constant 32 : index
        %get3A_582 = tpu.vector_load %arg6[%get3A_579, %get3A_580, %get3A_581] {strides = array<i32>} : memref<4x200x64xf32, #tpu.memory_space<vmem>>, vector<1x1x16xf32>,
        %get3A_583 = vector.shape_cast %get3A_582 : vector<1x1x16xf32> to vector<16xf32>
        %add3A_584 = arith.addf %add3A_550, %get3A_583 : vector<16xf32>
        %max3A_585 = arith.maximumf %max3A_551, %get3A_583 : vector<16xf32>
        %get3A_586 = arith.constant 0 : i32
        %get3A_587 = arith.index_cast %get3A_586 : i32 to index
        %get3A_588 = arith.index_cast %scan3A_561 : i32 to index
        %get3A_589 = arith.constant 48 : index
        %get3A_590 = tpu.vector_load %arg6[%get3A_587, %get3A_588, %get3A_589] {strides = array<i32>} : memref<4x200x64xf32, #tpu.memory_space<vmem>>, vector<1x1x16xf32>,
        %get3A_591 = vector.shape_cast %get3A_590 : vector<1x1x16xf32> to vector<16xf32>
        %add3A_592 = arith.addf %add3A_558, %get3A_591 : vector<16xf32>
        %max3A_593 = arith.maximumf %max3A_559, %get3A_591 : vector<16xf32>
        %scan3A_594 = arith.constant 5 : i32
        %scan3A_595 = arith.addi %scan3A_419, %scan3A_594 : i32
        %get3A_596 = arith.constant 0 : i32
        %get3A_597 = arith.index_cast %get3A_596 : i32 to index
        %get3A_598 = arith.index_cast %scan3A_595 : i32 to index
        %get3A_599 = arith.constant 0 : index
        %get3A_600 = tpu.vector_load %arg6[%get3A_597, %get3A_598, %get3A_599] {strides = array<i32>} : memref<4x200x64xf32, #tpu.memory_space<vmem>>, vector<1x1x16xf32>,
        %get3A_601 = vector.shape_cast %get3A_600 : vector<1x1x16xf32> to vector<16xf32>
        %add3A_602 = arith.addf %add3A_568, %get3A_601 : vector<16xf32>
        %max3A_603 = arith.maximumf %max3A_569, %get3A_601 : vector<16xf32>
        %get3A_604 = arith.constant 0 : i32
        %get3A_605 = arith.index_cast %get3A_604 : i32 to index
        %get3A_606 = arith.index_cast %scan3A_595 : i32 to index
        %get3A_607 = arith.constant 16 : index
        %get3A_608 = tpu.vector_load %arg6[%get3A_605, %get3A_606, %get3A_607] {strides = array<i32>} : memref<4x200x64xf32, #tpu.memory_space<vmem>>, vector<1x1x16xf32>,
        %get3A_609 = vector.shape_cast %get3A_608 : vector<1x1x16xf32> to vector<16xf32>
        %add3A_610 = arith.addf %add3A_576, %get3A_609 : vector<16xf32>
        %max3A_611 = arith.maximumf %max3A_577, %get3A_609 : vector<16xf32>
        %get3A_612 = arith.constant 0 : i32
        %get3A_613 = arith.index_cast %get3A_612 : i32 to index
        %get3A_614 = arith.index_cast %scan3A_595 : i32 to index
        %get3A_615 = arith.constant 32 : index
        %get3A_616 = tpu.vector_load %arg6[%get3A_613, %get3A_614, %get3A_615] {strides = array<i32>} : memref<4x200x64xf32, #tpu.memory_space<vmem>>, vector<1x1x16xf32>,
        %get3A_617 = vector.shape_cast %get3A_616 : vector<1x1x16xf32> to vector<16xf32>
        %add3A_618 = arith.addf %add3A_584, %get3A_617 : vector<16xf32>
        %max3A_619 = arith.maximumf %max3A_585, %get3A_617 : vector<16xf32>
        %get3A_620 = arith.constant 0 : i32
        %get3A_621 = arith.index_cast %get3A_620 : i32 to index
        %get3A_622 = arith.index_cast %scan3A_595 : i32 to index
        %get3A_623 = arith.constant 48 : index
        %get3A_624 = tpu.vector_load %arg6[%get3A_621, %get3A_622, %get3A_623] {strides = array<i32>} : memref<4x200x64xf32, #tpu.memory_space<vmem>>, vector<1x1x16xf32>,
        %get3A_625 = vector.shape_cast %get3A_624 : vector<1x1x16xf32> to vector<16xf32>
        %add3A_626 = arith.addf %add3A_592, %get3A_625 : vector<16xf32>
        %max3A_627 = arith.maximumf %max3A_593, %get3A_625 : vector<16xf32>
        %scan3A_628 = arith.constant 6 : i32
        %scan3A_629 = arith.addi %scan3A_419, %scan3A_628 : i32
        %get3A_630 = arith.constant 0 : i32
        %get3A_631 = arith.index_cast %get3A_630 : i32 to index
        %get3A_632 = arith.index_cast %scan3A_629 : i32 to index
        %get3A_633 = arith.constant 0 : index
        %get3A_634 = tpu.vector_load %arg6[%get3A_631, %get3A_632, %get3A_633] {strides = array<i32>} : memref<4x200x64xf32, #tpu.memory_space<vmem>>, vector<1x1x16xf32>,
        %get3A_635 = vector.shape_cast %get3A_634 : vector<1x1x16xf32> to vector<16xf32>
        %add3A_636 = arith.addf %add3A_602, %get3A_635 : vector<16xf32>
        %max3A_637 = arith.maximumf %max3A_603, %get3A_635 : vector<16xf32>
        %get3A_638 = arith.constant 0 : i32
        %get3A_639 = arith.index_cast %get3A_638 : i32 to index
        %get3A_640 = arith.index_cast %scan3A_629 : i32 to index
        %get3A_641 = arith.constant 16 : index
        %get3A_642 = tpu.vector_load %arg6[%get3A_639, %get3A_640, %get3A_641] {strides = array<i32>} : memref<4x200x64xf32, #tpu.memory_space<vmem>>, vector<1x1x16xf32>,
        %get3A_643 = vector.shape_cast %get3A_642 : vector<1x1x16xf32> to vector<16xf32>
        %add3A_644 = arith.addf %add3A_610, %get3A_643 : vector<16xf32>
        %max3A_645 = arith.maximumf %max3A_611, %get3A_643 : vector<16xf32>
        %get3A_646 = arith.constant 0 : i32
        %get3A_647 = arith.index_cast %get3A_646 : i32 to index
        %get3A_648 = arith.index_cast %scan3A_629 : i32 to index
        %get3A_649 = arith.constant 32 : index
        %get3A_650 = tpu.vector_load %arg6[%get3A_647, %get3A_648, %get3A_649] {strides = array<i32>} : memref<4x200x64xf32, #tpu.memory_space<vmem>>, vector<1x1x16xf32>,
        %get3A_651 = vector.shape_cast %get3A_650 : vector<1x1x16xf32> to vector<16xf32>
        %add3A_652 = arith.addf %add3A_618, %get3A_651 : vector<16xf32>
        %max3A_653 = arith.maximumf %max3A_619, %get3A_651 : vector<16xf32>
        %get3A_654 = arith.constant 0 : i32
        %get3A_655 = arith.index_cast %get3A_654 : i32 to index
        %get3A_656 = arith.index_cast %scan3A_629 : i32 to index
        %get3A_657 = arith.constant 48 : index
        %get3A_658 = tpu.vector_load %arg6[%get3A_655, %get3A_656, %get3A_657] {strides = array<i32>} : memref<4x200x64xf32, #tpu.memory_space<vmem>>, vector<1x1x16xf32>,
        %get3A_659 = vector.shape_cast %get3A_658 : vector<1x1x16xf32> to vector<16xf32>
        %add3A_660 = arith.addf %add3A_626, %get3A_659 : vector<16xf32>
        %max3A_661 = arith.maximumf %max3A_627, %get3A_659 : vector<16xf32>
        %scan3A_662 = arith.constant 7 : i32
        %scan3A_663 = arith.addi %scan3A_419, %scan3A_662 : i32
        %get3A_664 = arith.constant 0 : i32
        %get3A_665 = arith.index_cast %get3A_664 : i32 to index
        %get3A_666 = arith.index_cast %scan3A_663 : i32 to index
        %get3A_667 = arith.constant 0 : index
        %get3A_668 = tpu.vector_load %arg6[%get3A_665, %get3A_666, %get3A_667] {strides = array<i32>} : memref<4x200x64xf32, #tpu.memory_space<vmem>>, vector<1x1x16xf32>,
        %get3A_669 = vector.shape_cast %get3A_668 : vector<1x1x16xf32> to vector<16xf32>
        %add3A_670 = arith.addf %add3A_636, %get3A_669 : vector<16xf32>
        %max3A_671 = arith.maximumf %max3A_637, %get3A_669 : vector<16xf32>
        %get3A_672 = arith.constant 0 : i32
        %get3A_673 = arith.index_cast %get3A_672 : i32 to index
        %get3A_674 = arith.index_cast %scan3A_663 : i32 to index
        %get3A_675 = arith.constant 16 : index
        %get3A_676 = tpu.vector_load %arg6[%get3A_673, %get3A_674, %get3A_675] {strides = array<i32>} : memref<4x200x64xf32, #tpu.memory_space<vmem>>, vector<1x1x16xf32>,
        %get3A_677 = vector.shape_cast %get3A_676 : vector<1x1x16xf32> to vector<16xf32>
        %add3A_678 = arith.addf %add3A_644, %get3A_677 : vector<16xf32>
        %max3A_679 = arith.maximumf %max3A_645, %get3A_677 : vector<16xf32>
        %get3A_680 = arith.constant 0 : i32
        %get3A_681 = arith.index_cast %get3A_680 : i32 to index
        %get3A_682 = arith.index_cast %scan3A_663 : i32 to index
        %get3A_683 = arith.constant 32 : index
        %get3A_684 = tpu.vector_load %arg6[%get3A_681, %get3A_682, %get3A_683] {strides = array<i32>} : memref<4x200x64xf32, #tpu.memory_space<vmem>>, vector<1x1x16xf32>,
        %get3A_685 = vector.shape_cast %get3A_684 : vector<1x1x16xf32> to vector<16xf32>
        %add3A_686 = arith.addf %add3A_652, %get3A_685 : vector<16xf32>
        %max3A_687 = arith.maximumf %max3A_653, %get3A_685 : vector<16xf32>
        %get3A_688 = arith.constant 0 : i32
        %get3A_689 = arith.index_cast %get3A_688 : i32 to index
        %get3A_690 = arith.index_cast %scan3A_663 : i32 to index
        %get3A_691 = arith.constant 48 : index
        %get3A_692 = tpu.vector_load %arg6[%get3A_689, %get3A_690, %get3A_691] {strides = array<i32>} : memref<4x200x64xf32, #tpu.memory_space<vmem>>, vector<1x1x16xf32>,
        %get3A_693 = vector.shape_cast %get3A_692 : vector<1x1x16xf32> to vector<16xf32>
        %add3A_694 = arith.addf %add3A_660, %get3A_693 : vector<16xf32>
        %max3A_695 = arith.maximumf %max3A_661, %get3A_693 : vector<16xf32>
        scf.yield %add3A_670, %add3A_678, %add3A_686, %add3A_694, %max3A_671, %max3A_679, %max3A_687, %max3A_695 : vector<16xf32>, vector<16xf32>, vector<16xf32>, vector<16xf32>, vector<16xf32>, vector<16xf32>, vector<16xf32>, vector<16xf32>
      }
      %scan3A_115 = arith.constant 200 : i32
      %swap3A = arith.index_cast %add3A_75 : i32 to index
      %swap3A_116 = arith.constant 0 : index
      %swap3A_117 = tpu.vector_load %arg7[%swap3A, %swap3A_116] {strides = array<i32>} : memref<128x64xf32, #tpu.memory_space<vmem>>, vector<1x16xf32>,
      %swap3A_118 = vector.shape_cast %swap3A_117 : vector<1x16xf32> to vector<16xf32>
      %swap3A_119 = vector.shape_cast %scan3A_114#0 : vector<16xf32> to vector<1x16xf32>
      tpu.vector_store %arg7[%swap3A, %swap3A_116], %swap3A_119 {strides = array<i32>} : memref<128x64xf32, #tpu.memory_space<vmem>>, vector<1x16xf32>,
      %swap3A_120 = arith.index_cast %add3A_75 : i32 to index
      %swap3A_121 = arith.constant 0 : index
      %swap3A_122 = tpu.vector_load %arg8[%swap3A_120, %swap3A_121] {strides = array<i32>} : memref<128x64xf32, #tpu.memory_space<vmem>>, vector<1x16xf32>,
      %swap3A_123 = vector.shape_cast %swap3A_122 : vector<1x16xf32> to vector<16xf32>
      %swap3A_124 = vector.shape_cast %scan3A_114#4 : vector<16xf32> to vector<1x16xf32>
      tpu.vector_store %arg8[%swap3A_120, %swap3A_121], %swap3A_124 {strides = array<i32>} : memref<128x64xf32, #tpu.memory_space<vmem>>, vector<1x16xf32>,
      %swap3A_125 = arith.index_cast %add3A_75 : i32 to index
      %swap3A_126 = arith.constant 16 : index
      %swap3A_127 = tpu.vector_load %arg7[%swap3A_125, %swap3A_126] {strides = array<i32>} : memref<128x64xf32, #tpu.memory_space<vmem>>, vector<1x16xf32>,
      %swap3A_128 = vector.shape_cast %swap3A_127 : vector<1x16xf32> to vector<16xf32>
      %swap3A_129 = vector.shape_cast %scan3A_114#1 : vector<16xf32> to vector<1x16xf32>
      tpu.vector_store %arg7[%swap3A_125, %swap3A_126], %swap3A_129 {strides = array<i32>} : memref<128x64xf32, #tpu.memory_space<vmem>>, vector<1x16xf32>,
      %swap3A_130 = arith.index_cast %add3A_75 : i32 to index
      %swap3A_131 = arith.constant 16 : index
      %swap3A_132 = tpu.vector_load %arg8[%swap3A_130, %swap3A_131] {strides = array<i32>} : memref<128x64xf32, #tpu.memory_space<vmem>>, vector<1x16xf32>,
      %swap3A_133 = vector.shape_cast %swap3A_132 : vector<1x16xf32> to vector<16xf32>
      %swap3A_134 = vector.shape_cast %scan3A_114#5 : vector<16xf32> to vector<1x16xf32>
      tpu.vector_store %arg8[%swap3A_130, %swap3A_131], %swap3A_134 {strides = array<i32>} : memref<128x64xf32, #tpu.memory_space<vmem>>, vector<1x16xf32>,
      %swap3A_135 = arith.index_cast %add3A_75 : i32 to index
      %swap3A_136 = arith.constant 32 : index
      %swap3A_137 = tpu.vector_load %arg7[%swap3A_135, %swap3A_136] {strides = array<i32>} : memref<128x64xf32, #tpu.memory_space<vmem>>, vector<1x16xf32>,
      %swap3A_138 = vector.shape_cast %swap3A_137 : vector<1x16xf32> to vector<16xf32>
      %swap3A_139 = vector.shape_cast %scan3A_114#2 : vector<16xf32> to vector<1x16xf32>
      tpu.vector_store %arg7[%swap3A_135, %swap3A_136], %swap3A_139 {strides = array<i32>} : memref<128x64xf32, #tpu.memory_space<vmem>>, vector<1x16xf32>,
      %swap3A_140 = arith.index_cast %add3A_75 : i32 to index
      %swap3A_141 = arith.constant 32 : index
      %swap3A_142 = tpu.vector_load %arg8[%swap3A_140, %swap3A_141] {strides = array<i32>} : memref<128x64xf32, #tpu.memory_space<vmem>>, vector<1x16xf32>,
      %swap3A_143 = vector.shape_cast %swap3A_142 : vector<1x16xf32> to vector<16xf32>
      %swap3A_144 = vector.shape_cast %scan3A_114#6 : vector<16xf32> to vector<1x16xf32>
      tpu.vector_store %arg8[%swap3A_140, %swap3A_141], %swap3A_144 {strides = array<i32>} : memref<128x64xf32, #tpu.memory_space<vmem>>, vector<1x16xf32>,
      %swap3A_145 = arith.index_cast %add3A_75 : i32 to index
      %swap3A_146 = arith.constant 48 : index
      %swap3A_147 = tpu.vector_load %arg7[%swap3A_145, %swap3A_146] {strides = array<i32>} : memref<128x64xf32, #tpu.memory_space<vmem>>, vector<1x16xf32>,
      %swap3A_148 = vector.shape_cast %swap3A_147 : vector<1x16xf32> to vector<16xf32>
      %swap3A_149 = vector.shape_cast %scan3A_114#3 : vector<16xf32> to vector<1x16xf32>
      tpu.vector_store %arg7[%swap3A_145, %swap3A_146], %swap3A_149 {strides = array<i32>} : memref<128x64xf32, #tpu.memory_space<vmem>>, vector<1x16xf32>,
      %swap3A_150 = arith.index_cast %add3A_75 : i32 to index
      %swap3A_151 = arith.constant 48 : index
      %swap3A_152 = tpu.vector_load %arg8[%swap3A_150, %swap3A_151] {strides = array<i32>} : memref<128x64xf32, #tpu.memory_space<vmem>>, vector<1x16xf32>,
      %swap3A_153 = vector.shape_cast %swap3A_152 : vector<1x16xf32> to vector<16xf32>
      %swap3A_154 = vector.shape_cast %scan3A_114#7 : vector<16xf32> to vector<1x16xf32>
      tpu.vector_store %arg8[%swap3A_150, %swap3A_151], %swap3A_154 {strides = array<i32>} : memref<128x64xf32, #tpu.memory_space<vmem>>, vector<1x16xf32>,
      %add3A_155 = arith.constant 1 : i32
      %add3A_156 = arith.addi %mul3A_73, %add3A_155 : i32
      %add3A_157 = arith.constant 4 : i32
      %add3A_158 = arith.addi %add3A_156, %add3A_157 : i32
      %sub3A_159 = arith.constant 1 : i32
      %sub3A_160 = arith.subi %add3A_158, %sub3A_159 : i32
      %lt3A_161 = arith.constant 128 : i32
      %lt3A_162 = arith.cmpi slt, %sub3A_160, %lt3A_161 : i32
      %convert_element_type3A_163 = arith.extui %lt3A_162 : i1 to i32
      %cond3A_164 = arith.constant 0 : i32
      %cond3A_165 = arith.cmpi ne, %convert_element_type3A_163, %cond3A_164 : i32
      scf.if %cond3A_165 {
        %add3A_419 = arith.constant 4 : i32
        %add3A_420 = arith.addi %add3A_156, %add3A_419 : i32
        %sub3A_421 = arith.constant 1 : i32
        %sub3A_422 = arith.subi %add3A_420, %sub3A_421 : i32
        %mul3A_423 = arith.constant 200 : i32
        %mul3A_424 = arith.muli %sub3A_422, %mul3A_423 : i32
        %dma_start3A_425 = arith.constant 0 : i32
        %dma_start3A_426 = arith.constant 0 : i32
        %dma_start3A_427 = arith.constant 0 : i32
        %dma_start3A_428 = tpu.memref_slice %arg6[%dma_start3A_425, %dma_start3A_426, %dma_start3A_427] : memref<4x200x64xf32, #tpu.memory_space<vmem>> -> memref<1x104x64xf32, #tpu.memory_space<vmem>>
        %dma_start3A_429 = tpu.memref_squeeze %dma_start3A_428 : memref<1x104x64xf32, #tpu.memory_space<vmem>> -> memref<104x64xf32, #tpu.memory_space<vmem>>
        %dma_start3A_430 = tpu.memref_slice %arg5[%mul3A_424] : memref<25600xi32, #tpu.memory_space<vmem>> -> memref<104xi32, #tpu.memory_space<vmem>>
        %dma_start3A_431 = arith.constant 0 : i32
        %dma_start3A_432 = arith.constant 0 : i32
        %dma_start3A_433 = tpu.memref_slice %arg3[%dma_start3A_431, %dma_start3A_432] : memref<100000x64xf32, #tpu.memory_space<hbm>> -> memref<100000x64xf32, #tpu.memory_space<hbm>>
        tpu.enqueue_indirect_dma source(%dma_start3A_433 : memref<100000x64xf32, #tpu.memory_space<hbm>>) target(%dma_start3A_429 : memref<104x64xf32, #tpu.memory_space<vmem>>) offsets(%dma_start3A_430 : memref<104xi32, #tpu.memory_space<vmem>>) semaphore(%arg9 : memref<!tpu.dma_semaphore, #tpu.memory_space<semaphore_mem>>)
        %mul3A_434 = arith.constant 200 : i32
        %mul3A_435 = arith.muli %sub3A_422, %mul3A_434 : i32
        %add3A_436 = arith.constant 104 : i32
        %add3A_437 = arith.addi %mul3A_435, %add3A_436 : i32
        %dma_start3A_438 = arith.constant 0 : i32
        %dma_start3A_439 = arith.constant 104 : i32
        %dma_start3A_440 = arith.constant 0 : i32
        %dma_start3A_441 = tpu.memref_slice %arg6[%dma_start3A_438, %dma_start3A_439, %dma_start3A_440] : memref<4x200x64xf32, #tpu.memory_space<vmem>> -> memref<1x96x64xf32, #tpu.memory_space<vmem>>
        %dma_start3A_442 = tpu.memref_squeeze %dma_start3A_441 : memref<1x96x64xf32, #tpu.memory_space<vmem>> -> memref<96x64xf32, #tpu.memory_space<vmem>>
        %dma_start3A_443 = tpu.memref_slice %arg5[%add3A_437] : memref<25600xi32, #tpu.memory_space<vmem>> -> memref<96xi32, #tpu.memory_space<vmem>>
        %dma_start3A_444 = arith.constant 0 : i32
        %dma_start3A_445 = arith.constant 0 : i32
        %dma_start3A_446 = tpu.memref_slice %arg3[%dma_start3A_444, %dma_start3A_445] : memref<100000x64xf32, #tpu.memory_space<hbm>> -> memref<100000x64xf32, #tpu.memory_space<hbm>>
        tpu.enqueue_indirect_dma source(%dma_start3A_446 : memref<100000x64xf32, #tpu.memory_space<hbm>>) target(%dma_start3A_442 : memref<96x64xf32, #tpu.memory_space<vmem>>) offsets(%dma_start3A_443 : memref<96xi32, #tpu.memory_space<vmem>>) semaphore(%arg9 : memref<!tpu.dma_semaphore, #tpu.memory_space<semaphore_mem>>)
      } else {
      }
      %dma_wait3A_166 = arith.constant 1 : i32
      %dma_wait3A_167 = arith.constant 0 : i32
      %dma_wait3A_168 = arith.constant 0 : i32
      %dma_wait3A_169 = tpu.memref_slice %arg6[%dma_wait3A_166, %dma_wait3A_167, %dma_wait3A_168] : memref<4x200x64xf32, #tpu.memory_space<vmem>> -> memref<1x200x64xf32, #tpu.memory_space<vmem>>
      %dma_wait3A_170 = tpu.memref_squeeze %dma_wait3A_169 : memref<1x200x64xf32, #tpu.memory_space<vmem>> -> memref<200x64xf32, #tpu.memory_space<vmem>>
      %dma_wait3A_171 = arith.constant 0 : i32
      %dma_wait3A_172 = arith.constant 0 : i32
      %dma_wait3A_173 = tpu.memref_slice %arg3[%dma_wait3A_171, %dma_wait3A_172] : memref<100000x64xf32, #tpu.memory_space<hbm>> -> memref<200x64xf32, #tpu.memory_space<hbm>>
      %dma_wait3A_174 = arith.constant 0 : i32
      %dma_wait3A_175 = arith.constant 0 : i32
      %dma_wait3A_176 = tpu.memref_slice %arg6[%dma_wait3A_166, %dma_wait3A_174, %dma_wait3A_175] : memref<4x200x64xf32, #tpu.memory_space<vmem>> -> memref<1x200x64xf32, #tpu.memory_space<vmem>>
      %dma_wait3A_177 = tpu.memref_squeeze %dma_wait3A_176 : memref<1x200x64xf32, #tpu.memory_space<vmem>> -> memref<200x64xf32, #tpu.memory_space<vmem>>
      %dma_wait3A_178 = arith.constant 0 : i32
      %dma_wait3A_179 = arith.constant 0 : i32
      %dma_wait3A_180 = tpu.memref_slice %arg3[%dma_wait3A_178, %dma_wait3A_179] : memref<100000x64xf32, #tpu.memory_space<hbm>> -> memref<200x64xf32, #tpu.memory_space<hbm>>
      tpu.wait_dma2 semaphore(%arg10 : memref<!tpu.dma_semaphore, #tpu.memory_space<semaphore_mem>>) src(%dma_wait3A_180 : memref<200x64xf32, #tpu.memory_space<hbm>>) dst(%dma_wait3A_177 : memref<200x64xf32, #tpu.memory_space<vmem>>)
      %broadcast_in_dim3A_181 = arith.constant 0.000000e+00 : f32
      %broadcast_in_dim3A_182 = vector.broadcast %broadcast_in_dim3A_181 : f32 to vector<16xf32>
      %broadcast_in_dim3A_183 = arith.constant 0.000000e+00 : f32
      %broadcast_in_dim3A_184 = vector.broadcast %broadcast_in_dim3A_183 : f32 to vector<16xf32>
      %broadcast_in_dim3A_185 = arith.constant 0.000000e+00 : f32
      %broadcast_in_dim3A_186 = vector.broadcast %broadcast_in_dim3A_185 : f32 to vector<16xf32>
      %broadcast_in_dim3A_187 = arith.constant 0.000000e+00 : f32
      %broadcast_in_dim3A_188 = vector.broadcast %broadcast_in_dim3A_187 : f32 to vector<16xf32>
      %broadcast_in_dim3A_189 = arith.constant 0xFF800000 : f32
      %broadcast_in_dim3A_190 = vector.broadcast %broadcast_in_dim3A_189 : f32 to vector<16xf32>
      %broadcast_in_dim3A_191 = arith.constant 0xFF800000 : f32
      %broadcast_in_dim3A_192 = vector.broadcast %broadcast_in_dim3A_191 : f32 to vector<16xf32>
      %broadcast_in_dim3A_193 = arith.constant 0xFF800000 : f32
      %broadcast_in_dim3A_194 = vector.broadcast %broadcast_in_dim3A_193 : f32 to vector<16xf32>
      %broadcast_in_dim3A_195 = arith.constant 0xFF800000 : f32
      %broadcast_in_dim3A_196 = vector.broadcast %broadcast_in_dim3A_195 : f32 to vector<16xf32>
      %scan3A_197 = arith.constant 0 : i32
      %scan3A_198 = arith.constant 200 : i32
      %scan3A_199 = arith.addi %scan3A_197, %scan3A_198 : i32
      %scan3A_200 = arith.constant 8 : i32
      %scan3A_201:8 = scf.for %scan3A_419 = %scan3A_197 to %scan3A_199 step %scan3A_200 iter_args(%scan3A_420 = %broadcast_in_dim3A_182, %scan3A_421 = %broadcast_in_dim3A_184, %scan3A_422 = %broadcast_in_dim3A_186, %scan3A_423 = %broadcast_in_dim3A_188, %scan3A_424 = %broadcast_in_dim3A_190, %scan3A_425 = %broadcast_in_dim3A_192, %scan3A_426 = %broadcast_in_dim3A_194, %scan3A_427 = %broadcast_in_dim3A_196) -> (vector<16xf32>, vector<16xf32>, vector<16xf32>, vector<16xf32>, vector<16xf32>, vector<16xf32>, vector<16xf32>, vector<16xf32>)  : i32 {
        %get3A = arith.constant 1 : i32
        %get3A_428 = arith.index_cast %get3A : i32 to index
        %get3A_429 = arith.index_cast %scan3A_419 : i32 to index
        %get3A_430 = arith.constant 0 : index
        %get3A_431 = tpu.vector_load %arg6[%get3A_428, %get3A_429, %get3A_430] {strides = array<i32>} : memref<4x200x64xf32, #tpu.memory_space<vmem>>, vector<1x1x16xf32>,
        %get3A_432 = vector.shape_cast %get3A_431 : vector<1x1x16xf32> to vector<16xf32>
        %add3A_433 = arith.addf %scan3A_420, %get3A_432 : vector<16xf32>
        %max3A = arith.maximumf %scan3A_424, %get3A_432 : vector<16xf32>
        %get3A_434 = arith.constant 1 : i32
        %get3A_435 = arith.index_cast %get3A_434 : i32 to index
        %get3A_436 = arith.index_cast %scan3A_419 : i32 to index
        %get3A_437 = arith.constant 16 : index
        %get3A_438 = tpu.vector_load %arg6[%get3A_435, %get3A_436, %get3A_437] {strides = array<i32>} : memref<4x200x64xf32, #tpu.memory_space<vmem>>, vector<1x1x16xf32>,
        %get3A_439 = vector.shape_cast %get3A_438 : vector<1x1x16xf32> to vector<16xf32>
        %add3A_440 = arith.addf %scan3A_421, %get3A_439 : vector<16xf32>
        %max3A_441 = arith.maximumf %scan3A_425, %get3A_439 : vector<16xf32>
        %get3A_442 = arith.constant 1 : i32
        %get3A_443 = arith.index_cast %get3A_442 : i32 to index
        %get3A_444 = arith.index_cast %scan3A_419 : i32 to index
        %get3A_445 = arith.constant 32 : index
        %get3A_446 = tpu.vector_load %arg6[%get3A_443, %get3A_444, %get3A_445] {strides = array<i32>} : memref<4x200x64xf32, #tpu.memory_space<vmem>>, vector<1x1x16xf32>,
        %get3A_447 = vector.shape_cast %get3A_446 : vector<1x1x16xf32> to vector<16xf32>
        %add3A_448 = arith.addf %scan3A_422, %get3A_447 : vector<16xf32>
        %max3A_449 = arith.maximumf %scan3A_426, %get3A_447 : vector<16xf32>
        %get3A_450 = arith.constant 1 : i32
        %get3A_451 = arith.index_cast %get3A_450 : i32 to index
        %get3A_452 = arith.index_cast %scan3A_419 : i32 to index
        %get3A_453 = arith.constant 48 : index
        %get3A_454 = tpu.vector_load %arg6[%get3A_451, %get3A_452, %get3A_453] {strides = array<i32>} : memref<4x200x64xf32, #tpu.memory_space<vmem>>, vector<1x1x16xf32>,
        %get3A_455 = vector.shape_cast %get3A_454 : vector<1x1x16xf32> to vector<16xf32>
        %add3A_456 = arith.addf %scan3A_423, %get3A_455 : vector<16xf32>
        %max3A_457 = arith.maximumf %scan3A_427, %get3A_455 : vector<16xf32>
        %scan3A_458 = arith.constant 1 : i32
        %scan3A_459 = arith.addi %scan3A_419, %scan3A_458 : i32
        %get3A_460 = arith.constant 1 : i32
        %get3A_461 = arith.index_cast %get3A_460 : i32 to index
        %get3A_462 = arith.index_cast %scan3A_459 : i32 to index
        %get3A_463 = arith.constant 0 : index
        %get3A_464 = tpu.vector_load %arg6[%get3A_461, %get3A_462, %get3A_463] {strides = array<i32>} : memref<4x200x64xf32, #tpu.memory_space<vmem>>, vector<1x1x16xf32>,
        %get3A_465 = vector.shape_cast %get3A_464 : vector<1x1x16xf32> to vector<16xf32>
        %add3A_466 = arith.addf %add3A_433, %get3A_465 : vector<16xf32>
        %max3A_467 = arith.maximumf %max3A, %get3A_465 : vector<16xf32>
        %get3A_468 = arith.constant 1 : i32
        %get3A_469 = arith.index_cast %get3A_468 : i32 to index
        %get3A_470 = arith.index_cast %scan3A_459 : i32 to index
        %get3A_471 = arith.constant 16 : index
        %get3A_472 = tpu.vector_load %arg6[%get3A_469, %get3A_470, %get3A_471] {strides = array<i32>} : memref<4x200x64xf32, #tpu.memory_space<vmem>>, vector<1x1x16xf32>,
        %get3A_473 = vector.shape_cast %get3A_472 : vector<1x1x16xf32> to vector<16xf32>
        %add3A_474 = arith.addf %add3A_440, %get3A_473 : vector<16xf32>
        %max3A_475 = arith.maximumf %max3A_441, %get3A_473 : vector<16xf32>
        %get3A_476 = arith.constant 1 : i32
        %get3A_477 = arith.index_cast %get3A_476 : i32 to index
        %get3A_478 = arith.index_cast %scan3A_459 : i32 to index
        %get3A_479 = arith.constant 32 : index
        %get3A_480 = tpu.vector_load %arg6[%get3A_477, %get3A_478, %get3A_479] {strides = array<i32>} : memref<4x200x64xf32, #tpu.memory_space<vmem>>, vector<1x1x16xf32>,
        %get3A_481 = vector.shape_cast %get3A_480 : vector<1x1x16xf32> to vector<16xf32>
        %add3A_482 = arith.addf %add3A_448, %get3A_481 : vector<16xf32>
        %max3A_483 = arith.maximumf %max3A_449, %get3A_481 : vector<16xf32>
        %get3A_484 = arith.constant 1 : i32
        %get3A_485 = arith.index_cast %get3A_484 : i32 to index
        %get3A_486 = arith.index_cast %scan3A_459 : i32 to index
        %get3A_487 = arith.constant 48 : index
        %get3A_488 = tpu.vector_load %arg6[%get3A_485, %get3A_486, %get3A_487] {strides = array<i32>} : memref<4x200x64xf32, #tpu.memory_space<vmem>>, vector<1x1x16xf32>,
        %get3A_489 = vector.shape_cast %get3A_488 : vector<1x1x16xf32> to vector<16xf32>
        %add3A_490 = arith.addf %add3A_456, %get3A_489 : vector<16xf32>
        %max3A_491 = arith.maximumf %max3A_457, %get3A_489 : vector<16xf32>
        %scan3A_492 = arith.constant 2 : i32
        %scan3A_493 = arith.addi %scan3A_419, %scan3A_492 : i32
        %get3A_494 = arith.constant 1 : i32
        %get3A_495 = arith.index_cast %get3A_494 : i32 to index
        %get3A_496 = arith.index_cast %scan3A_493 : i32 to index
        %get3A_497 = arith.constant 0 : index
        %get3A_498 = tpu.vector_load %arg6[%get3A_495, %get3A_496, %get3A_497] {strides = array<i32>} : memref<4x200x64xf32, #tpu.memory_space<vmem>>, vector<1x1x16xf32>,
        %get3A_499 = vector.shape_cast %get3A_498 : vector<1x1x16xf32> to vector<16xf32>
        %add3A_500 = arith.addf %add3A_466, %get3A_499 : vector<16xf32>
        %max3A_501 = arith.maximumf %max3A_467, %get3A_499 : vector<16xf32>
        %get3A_502 = arith.constant 1 : i32
        %get3A_503 = arith.index_cast %get3A_502 : i32 to index
        %get3A_504 = arith.index_cast %scan3A_493 : i32 to index
        %get3A_505 = arith.constant 16 : index
        %get3A_506 = tpu.vector_load %arg6[%get3A_503, %get3A_504, %get3A_505] {strides = array<i32>} : memref<4x200x64xf32, #tpu.memory_space<vmem>>, vector<1x1x16xf32>,
        %get3A_507 = vector.shape_cast %get3A_506 : vector<1x1x16xf32> to vector<16xf32>
        %add3A_508 = arith.addf %add3A_474, %get3A_507 : vector<16xf32>
        %max3A_509 = arith.maximumf %max3A_475, %get3A_507 : vector<16xf32>
        %get3A_510 = arith.constant 1 : i32
        %get3A_511 = arith.index_cast %get3A_510 : i32 to index
        %get3A_512 = arith.index_cast %scan3A_493 : i32 to index
        %get3A_513 = arith.constant 32 : index
        %get3A_514 = tpu.vector_load %arg6[%get3A_511, %get3A_512, %get3A_513] {strides = array<i32>} : memref<4x200x64xf32, #tpu.memory_space<vmem>>, vector<1x1x16xf32>,
        %get3A_515 = vector.shape_cast %get3A_514 : vector<1x1x16xf32> to vector<16xf32>
        %add3A_516 = arith.addf %add3A_482, %get3A_515 : vector<16xf32>
        %max3A_517 = arith.maximumf %max3A_483, %get3A_515 : vector<16xf32>
        %get3A_518 = arith.constant 1 : i32
        %get3A_519 = arith.index_cast %get3A_518 : i32 to index
        %get3A_520 = arith.index_cast %scan3A_493 : i32 to index
        %get3A_521 = arith.constant 48 : index
        %get3A_522 = tpu.vector_load %arg6[%get3A_519, %get3A_520, %get3A_521] {strides = array<i32>} : memref<4x200x64xf32, #tpu.memory_space<vmem>>, vector<1x1x16xf32>,
        %get3A_523 = vector.shape_cast %get3A_522 : vector<1x1x16xf32> to vector<16xf32>
        %add3A_524 = arith.addf %add3A_490, %get3A_523 : vector<16xf32>
        %max3A_525 = arith.maximumf %max3A_491, %get3A_523 : vector<16xf32>
        %scan3A_526 = arith.constant 3 : i32
        %scan3A_527 = arith.addi %scan3A_419, %scan3A_526 : i32
        %get3A_528 = arith.constant 1 : i32
        %get3A_529 = arith.index_cast %get3A_528 : i32 to index
        %get3A_530 = arith.index_cast %scan3A_527 : i32 to index
        %get3A_531 = arith.constant 0 : index
        %get3A_532 = tpu.vector_load %arg6[%get3A_529, %get3A_530, %get3A_531] {strides = array<i32>} : memref<4x200x64xf32, #tpu.memory_space<vmem>>, vector<1x1x16xf32>,
        %get3A_533 = vector.shape_cast %get3A_532 : vector<1x1x16xf32> to vector<16xf32>
        %add3A_534 = arith.addf %add3A_500, %get3A_533 : vector<16xf32>
        %max3A_535 = arith.maximumf %max3A_501, %get3A_533 : vector<16xf32>
        %get3A_536 = arith.constant 1 : i32
        %get3A_537 = arith.index_cast %get3A_536 : i32 to index
        %get3A_538 = arith.index_cast %scan3A_527 : i32 to index
        %get3A_539 = arith.constant 16 : index
        %get3A_540 = tpu.vector_load %arg6[%get3A_537, %get3A_538, %get3A_539] {strides = array<i32>} : memref<4x200x64xf32, #tpu.memory_space<vmem>>, vector<1x1x16xf32>,
        %get3A_541 = vector.shape_cast %get3A_540 : vector<1x1x16xf32> to vector<16xf32>
        %add3A_542 = arith.addf %add3A_508, %get3A_541 : vector<16xf32>
        %max3A_543 = arith.maximumf %max3A_509, %get3A_541 : vector<16xf32>
        %get3A_544 = arith.constant 1 : i32
        %get3A_545 = arith.index_cast %get3A_544 : i32 to index
        %get3A_546 = arith.index_cast %scan3A_527 : i32 to index
        %get3A_547 = arith.constant 32 : index
        %get3A_548 = tpu.vector_load %arg6[%get3A_545, %get3A_546, %get3A_547] {strides = array<i32>} : memref<4x200x64xf32, #tpu.memory_space<vmem>>, vector<1x1x16xf32>,
        %get3A_549 = vector.shape_cast %get3A_548 : vector<1x1x16xf32> to vector<16xf32>
        %add3A_550 = arith.addf %add3A_516, %get3A_549 : vector<16xf32>
        %max3A_551 = arith.maximumf %max3A_517, %get3A_549 : vector<16xf32>
        %get3A_552 = arith.constant 1 : i32
        %get3A_553 = arith.index_cast %get3A_552 : i32 to index
        %get3A_554 = arith.index_cast %scan3A_527 : i32 to index
        %get3A_555 = arith.constant 48 : index
        %get3A_556 = tpu.vector_load %arg6[%get3A_553, %get3A_554, %get3A_555] {strides = array<i32>} : memref<4x200x64xf32, #tpu.memory_space<vmem>>, vector<1x1x16xf32>,
        %get3A_557 = vector.shape_cast %get3A_556 : vector<1x1x16xf32> to vector<16xf32>
        %add3A_558 = arith.addf %add3A_524, %get3A_557 : vector<16xf32>
        %max3A_559 = arith.maximumf %max3A_525, %get3A_557 : vector<16xf32>
        %scan3A_560 = arith.constant 4 : i32
        %scan3A_561 = arith.addi %scan3A_419, %scan3A_560 : i32
        %get3A_562 = arith.constant 1 : i32
        %get3A_563 = arith.index_cast %get3A_562 : i32 to index
        %get3A_564 = arith.index_cast %scan3A_561 : i32 to index
        %get3A_565 = arith.constant 0 : index
        %get3A_566 = tpu.vector_load %arg6[%get3A_563, %get3A_564, %get3A_565] {strides = array<i32>} : memref<4x200x64xf32, #tpu.memory_space<vmem>>, vector<1x1x16xf32>,
        %get3A_567 = vector.shape_cast %get3A_566 : vector<1x1x16xf32> to vector<16xf32>
        %add3A_568 = arith.addf %add3A_534, %get3A_567 : vector<16xf32>
        %max3A_569 = arith.maximumf %max3A_535, %get3A_567 : vector<16xf32>
        %get3A_570 = arith.constant 1 : i32
        %get3A_571 = arith.index_cast %get3A_570 : i32 to index
        %get3A_572 = arith.index_cast %scan3A_561 : i32 to index
        %get3A_573 = arith.constant 16 : index
        %get3A_574 = tpu.vector_load %arg6[%get3A_571, %get3A_572, %get3A_573] {strides = array<i32>} : memref<4x200x64xf32, #tpu.memory_space<vmem>>, vector<1x1x16xf32>,
        %get3A_575 = vector.shape_cast %get3A_574 : vector<1x1x16xf32> to vector<16xf32>
        %add3A_576 = arith.addf %add3A_542, %get3A_575 : vector<16xf32>
        %max3A_577 = arith.maximumf %max3A_543, %get3A_575 : vector<16xf32>
        %get3A_578 = arith.constant 1 : i32
        %get3A_579 = arith.index_cast %get3A_578 : i32 to index
        %get3A_580 = arith.index_cast %scan3A_561 : i32 to index
        %get3A_581 = arith.constant 32 : index
        %get3A_582 = tpu.vector_load %arg6[%get3A_579, %get3A_580, %get3A_581] {strides = array<i32>} : memref<4x200x64xf32, #tpu.memory_space<vmem>>, vector<1x1x16xf32>,
        %get3A_583 = vector.shape_cast %get3A_582 : vector<1x1x16xf32> to vector<16xf32>
        %add3A_584 = arith.addf %add3A_550, %get3A_583 : vector<16xf32>
        %max3A_585 = arith.maximumf %max3A_551, %get3A_583 : vector<16xf32>
        %get3A_586 = arith.constant 1 : i32
        %get3A_587 = arith.index_cast %get3A_586 : i32 to index
        %get3A_588 = arith.index_cast %scan3A_561 : i32 to index
        %get3A_589 = arith.constant 48 : index
        %get3A_590 = tpu.vector_load %arg6[%get3A_587, %get3A_588, %get3A_589] {strides = array<i32>} : memref<4x200x64xf32, #tpu.memory_space<vmem>>, vector<1x1x16xf32>,
        %get3A_591 = vector.shape_cast %get3A_590 : vector<1x1x16xf32> to vector<16xf32>
        %add3A_592 = arith.addf %add3A_558, %get3A_591 : vector<16xf32>
        %max3A_593 = arith.maximumf %max3A_559, %get3A_591 : vector<16xf32>
        %scan3A_594 = arith.constant 5 : i32
        %scan3A_595 = arith.addi %scan3A_419, %scan3A_594 : i32
        %get3A_596 = arith.constant 1 : i32
        %get3A_597 = arith.index_cast %get3A_596 : i32 to index
        %get3A_598 = arith.index_cast %scan3A_595 : i32 to index
        %get3A_599 = arith.constant 0 : index
        %get3A_600 = tpu.vector_load %arg6[%get3A_597, %get3A_598, %get3A_599] {strides = array<i32>} : memref<4x200x64xf32, #tpu.memory_space<vmem>>, vector<1x1x16xf32>,
        %get3A_601 = vector.shape_cast %get3A_600 : vector<1x1x16xf32> to vector<16xf32>
        %add3A_602 = arith.addf %add3A_568, %get3A_601 : vector<16xf32>
        %max3A_603 = arith.maximumf %max3A_569, %get3A_601 : vector<16xf32>
        %get3A_604 = arith.constant 1 : i32
        %get3A_605 = arith.index_cast %get3A_604 : i32 to index
        %get3A_606 = arith.index_cast %scan3A_595 : i32 to index
        %get3A_607 = arith.constant 16 : index
        %get3A_608 = tpu.vector_load %arg6[%get3A_605, %get3A_606, %get3A_607] {strides = array<i32>} : memref<4x200x64xf32, #tpu.memory_space<vmem>>, vector<1x1x16xf32>,
        %get3A_609 = vector.shape_cast %get3A_608 : vector<1x1x16xf32> to vector<16xf32>
        %add3A_610 = arith.addf %add3A_576, %get3A_609 : vector<16xf32>
        %max3A_611 = arith.maximumf %max3A_577, %get3A_609 : vector<16xf32>
        %get3A_612 = arith.constant 1 : i32
        %get3A_613 = arith.index_cast %get3A_612 : i32 to index
        %get3A_614 = arith.index_cast %scan3A_595 : i32 to index
        %get3A_615 = arith.constant 32 : index
        %get3A_616 = tpu.vector_load %arg6[%get3A_613, %get3A_614, %get3A_615] {strides = array<i32>} : memref<4x200x64xf32, #tpu.memory_space<vmem>>, vector<1x1x16xf32>,
        %get3A_617 = vector.shape_cast %get3A_616 : vector<1x1x16xf32> to vector<16xf32>
        %add3A_618 = arith.addf %add3A_584, %get3A_617 : vector<16xf32>
        %max3A_619 = arith.maximumf %max3A_585, %get3A_617 : vector<16xf32>
        %get3A_620 = arith.constant 1 : i32
        %get3A_621 = arith.index_cast %get3A_620 : i32 to index
        %get3A_622 = arith.index_cast %scan3A_595 : i32 to index
        %get3A_623 = arith.constant 48 : index
        %get3A_624 = tpu.vector_load %arg6[%get3A_621, %get3A_622, %get3A_623] {strides = array<i32>} : memref<4x200x64xf32, #tpu.memory_space<vmem>>, vector<1x1x16xf32>,
        %get3A_625 = vector.shape_cast %get3A_624 : vector<1x1x16xf32> to vector<16xf32>
        %add3A_626 = arith.addf %add3A_592, %get3A_625 : vector<16xf32>
        %max3A_627 = arith.maximumf %max3A_593, %get3A_625 : vector<16xf32>
        %scan3A_628 = arith.constant 6 : i32
        %scan3A_629 = arith.addi %scan3A_419, %scan3A_628 : i32
        %get3A_630 = arith.constant 1 : i32
        %get3A_631 = arith.index_cast %get3A_630 : i32 to index
        %get3A_632 = arith.index_cast %scan3A_629 : i32 to index
        %get3A_633 = arith.constant 0 : index
        %get3A_634 = tpu.vector_load %arg6[%get3A_631, %get3A_632, %get3A_633] {strides = array<i32>} : memref<4x200x64xf32, #tpu.memory_space<vmem>>, vector<1x1x16xf32>,
        %get3A_635 = vector.shape_cast %get3A_634 : vector<1x1x16xf32> to vector<16xf32>
        %add3A_636 = arith.addf %add3A_602, %get3A_635 : vector<16xf32>
        %max3A_637 = arith.maximumf %max3A_603, %get3A_635 : vector<16xf32>
        %get3A_638 = arith.constant 1 : i32
        %get3A_639 = arith.index_cast %get3A_638 : i32 to index
        %get3A_640 = arith.index_cast %scan3A_629 : i32 to index
        %get3A_641 = arith.constant 16 : index
        %get3A_642 = tpu.vector_load %arg6[%get3A_639, %get3A_640, %get3A_641] {strides = array<i32>} : memref<4x200x64xf32, #tpu.memory_space<vmem>>, vector<1x1x16xf32>,
        %get3A_643 = vector.shape_cast %get3A_642 : vector<1x1x16xf32> to vector<16xf32>
        %add3A_644 = arith.addf %add3A_610, %get3A_643 : vector<16xf32>
        %max3A_645 = arith.maximumf %max3A_611, %get3A_643 : vector<16xf32>
        %get3A_646 = arith.constant 1 : i32
        %get3A_647 = arith.index_cast %get3A_646 : i32 to index
        %get3A_648 = arith.index_cast %scan3A_629 : i32 to index
        %get3A_649 = arith.constant 32 : index
        %get3A_650 = tpu.vector_load %arg6[%get3A_647, %get3A_648, %get3A_649] {strides = array<i32>} : memref<4x200x64xf32, #tpu.memory_space<vmem>>, vector<1x1x16xf32>,
        %get3A_651 = vector.shape_cast %get3A_650 : vector<1x1x16xf32> to vector<16xf32>
        %add3A_652 = arith.addf %add3A_618, %get3A_651 : vector<16xf32>
        %max3A_653 = arith.maximumf %max3A_619, %get3A_651 : vector<16xf32>
        %get3A_654 = arith.constant 1 : i32
        %get3A_655 = arith.index_cast %get3A_654 : i32 to index
        %get3A_656 = arith.index_cast %scan3A_629 : i32 to index
        %get3A_657 = arith.constant 48 : index
        %get3A_658 = tpu.vector_load %arg6[%get3A_655, %get3A_656, %get3A_657] {strides = array<i32>} : memref<4x200x64xf32, #tpu.memory_space<vmem>>, vector<1x1x16xf32>,
        %get3A_659 = vector.shape_cast %get3A_658 : vector<1x1x16xf32> to vector<16xf32>
        %add3A_660 = arith.addf %add3A_626, %get3A_659 : vector<16xf32>
        %max3A_661 = arith.maximumf %max3A_627, %get3A_659 : vector<16xf32>
        %scan3A_662 = arith.constant 7 : i32
        %scan3A_663 = arith.addi %scan3A_419, %scan3A_662 : i32
        %get3A_664 = arith.constant 1 : i32
        %get3A_665 = arith.index_cast %get3A_664 : i32 to index
        %get3A_666 = arith.index_cast %scan3A_663 : i32 to index
        %get3A_667 = arith.constant 0 : index
        %get3A_668 = tpu.vector_load %arg6[%get3A_665, %get3A_666, %get3A_667] {strides = array<i32>} : memref<4x200x64xf32, #tpu.memory_space<vmem>>, vector<1x1x16xf32>,
        %get3A_669 = vector.shape_cast %get3A_668 : vector<1x1x16xf32> to vector<16xf32>
        %add3A_670 = arith.addf %add3A_636, %get3A_669 : vector<16xf32>
        %max3A_671 = arith.maximumf %max3A_637, %get3A_669 : vector<16xf32>
        %get3A_672 = arith.constant 1 : i32
        %get3A_673 = arith.index_cast %get3A_672 : i32 to index
        %get3A_674 = arith.index_cast %scan3A_663 : i32 to index
        %get3A_675 = arith.constant 16 : index
        %get3A_676 = tpu.vector_load %arg6[%get3A_673, %get3A_674, %get3A_675] {strides = array<i32>} : memref<4x200x64xf32, #tpu.memory_space<vmem>>, vector<1x1x16xf32>,
        %get3A_677 = vector.shape_cast %get3A_676 : vector<1x1x16xf32> to vector<16xf32>
        %add3A_678 = arith.addf %add3A_644, %get3A_677 : vector<16xf32>
        %max3A_679 = arith.maximumf %max3A_645, %get3A_677 : vector<16xf32>
        %get3A_680 = arith.constant 1 : i32
        %get3A_681 = arith.index_cast %get3A_680 : i32 to index
        %get3A_682 = arith.index_cast %scan3A_663 : i32 to index
        %get3A_683 = arith.constant 32 : index
        %get3A_684 = tpu.vector_load %arg6[%get3A_681, %get3A_682, %get3A_683] {strides = array<i32>} : memref<4x200x64xf32, #tpu.memory_space<vmem>>, vector<1x1x16xf32>,
        %get3A_685 = vector.shape_cast %get3A_684 : vector<1x1x16xf32> to vector<16xf32>
        %add3A_686 = arith.addf %add3A_652, %get3A_685 : vector<16xf32>
        %max3A_687 = arith.maximumf %max3A_653, %get3A_685 : vector<16xf32>
        %get3A_688 = arith.constant 1 : i32
        %get3A_689 = arith.index_cast %get3A_688 : i32 to index
        %get3A_690 = arith.index_cast %scan3A_663 : i32 to index
        %get3A_691 = arith.constant 48 : index
        %get3A_692 = tpu.vector_load %arg6[%get3A_689, %get3A_690, %get3A_691] {strides = array<i32>} : memref<4x200x64xf32, #tpu.memory_space<vmem>>, vector<1x1x16xf32>,
        %get3A_693 = vector.shape_cast %get3A_692 : vector<1x1x16xf32> to vector<16xf32>
        %add3A_694 = arith.addf %add3A_660, %get3A_693 : vector<16xf32>
        %max3A_695 = arith.maximumf %max3A_661, %get3A_693 : vector<16xf32>
        scf.yield %add3A_670, %add3A_678, %add3A_686, %add3A_694, %max3A_671, %max3A_679, %max3A_687, %max3A_695 : vector<16xf32>, vector<16xf32>, vector<16xf32>, vector<16xf32>, vector<16xf32>, vector<16xf32>, vector<16xf32>, vector<16xf32>
      }
      %scan3A_202 = arith.constant 200 : i32
      %swap3A_203 = arith.index_cast %add3A_156 : i32 to index
      %swap3A_204 = arith.constant 0 : index
      %swap3A_205 = tpu.vector_load %arg7[%swap3A_203, %swap3A_204] {strides = array<i32>} : memref<128x64xf32, #tpu.memory_space<vmem>>, vector<1x16xf32>,
      %swap3A_206 = vector.shape_cast %swap3A_205 : vector<1x16xf32> to vector<16xf32>
      %swap3A_207 = vector.shape_cast %scan3A_201#0 : vector<16xf32> to vector<1x16xf32>
      tpu.vector_store %arg7[%swap3A_203, %swap3A_204], %swap3A_207 {strides = array<i32>} : memref<128x64xf32, #tpu.memory_space<vmem>>, vector<1x16xf32>,
      %swap3A_208 = arith.index_cast %add3A_156 : i32 to index
      %swap3A_209 = arith.constant 0 : index
      %swap3A_210 = tpu.vector_load %arg8[%swap3A_208, %swap3A_209] {strides = array<i32>} : memref<128x64xf32, #tpu.memory_space<vmem>>, vector<1x16xf32>,
      %swap3A_211 = vector.shape_cast %swap3A_210 : vector<1x16xf32> to vector<16xf32>
      %swap3A_212 = vector.shape_cast %scan3A_201#4 : vector<16xf32> to vector<1x16xf32>
      tpu.vector_store %arg8[%swap3A_208, %swap3A_209], %swap3A_212 {strides = array<i32>} : memref<128x64xf32, #tpu.memory_space<vmem>>, vector<1x16xf32>,
      %swap3A_213 = arith.index_cast %add3A_156 : i32 to index
      %swap3A_214 = arith.constant 16 : index
      %swap3A_215 = tpu.vector_load %arg7[%swap3A_213, %swap3A_214] {strides = array<i32>} : memref<128x64xf32, #tpu.memory_space<vmem>>, vector<1x16xf32>,
      %swap3A_216 = vector.shape_cast %swap3A_215 : vector<1x16xf32> to vector<16xf32>
      %swap3A_217 = vector.shape_cast %scan3A_201#1 : vector<16xf32> to vector<1x16xf32>
      tpu.vector_store %arg7[%swap3A_213, %swap3A_214], %swap3A_217 {strides = array<i32>} : memref<128x64xf32, #tpu.memory_space<vmem>>, vector<1x16xf32>,
      %swap3A_218 = arith.index_cast %add3A_156 : i32 to index
      %swap3A_219 = arith.constant 16 : index
      %swap3A_220 = tpu.vector_load %arg8[%swap3A_218, %swap3A_219] {strides = array<i32>} : memref<128x64xf32, #tpu.memory_space<vmem>>, vector<1x16xf32>,
      %swap3A_221 = vector.shape_cast %swap3A_220 : vector<1x16xf32> to vector<16xf32>
      %swap3A_222 = vector.shape_cast %scan3A_201#5 : vector<16xf32> to vector<1x16xf32>
      tpu.vector_store %arg8[%swap3A_218, %swap3A_219], %swap3A_222 {strides = array<i32>} : memref<128x64xf32, #tpu.memory_space<vmem>>, vector<1x16xf32>,
      %swap3A_223 = arith.index_cast %add3A_156 : i32 to index
      %swap3A_224 = arith.constant 32 : index
      %swap3A_225 = tpu.vector_load %arg7[%swap3A_223, %swap3A_224] {strides = array<i32>} : memref<128x64xf32, #tpu.memory_space<vmem>>, vector<1x16xf32>,
      %swap3A_226 = vector.shape_cast %swap3A_225 : vector<1x16xf32> to vector<16xf32>
      %swap3A_227 = vector.shape_cast %scan3A_201#2 : vector<16xf32> to vector<1x16xf32>
      tpu.vector_store %arg7[%swap3A_223, %swap3A_224], %swap3A_227 {strides = array<i32>} : memref<128x64xf32, #tpu.memory_space<vmem>>, vector<1x16xf32>,
      %swap3A_228 = arith.index_cast %add3A_156 : i32 to index
      %swap3A_229 = arith.constant 32 : index
      %swap3A_230 = tpu.vector_load %arg8[%swap3A_228, %swap3A_229] {strides = array<i32>} : memref<128x64xf32, #tpu.memory_space<vmem>>, vector<1x16xf32>,
      %swap3A_231 = vector.shape_cast %swap3A_230 : vector<1x16xf32> to vector<16xf32>
      %swap3A_232 = vector.shape_cast %scan3A_201#6 : vector<16xf32> to vector<1x16xf32>
      tpu.vector_store %arg8[%swap3A_228, %swap3A_229], %swap3A_232 {strides = array<i32>} : memref<128x64xf32, #tpu.memory_space<vmem>>, vector<1x16xf32>,
      %swap3A_233 = arith.index_cast %add3A_156 : i32 to index
      %swap3A_234 = arith.constant 48 : index
      %swap3A_235 = tpu.vector_load %arg7[%swap3A_233, %swap3A_234] {strides = array<i32>} : memref<128x64xf32, #tpu.memory_space<vmem>>, vector<1x16xf32>,
      %swap3A_236 = vector.shape_cast %swap3A_235 : vector<1x16xf32> to vector<16xf32>
      %swap3A_237 = vector.shape_cast %scan3A_201#3 : vector<16xf32> to vector<1x16xf32>
      tpu.vector_store %arg7[%swap3A_233, %swap3A_234], %swap3A_237 {strides = array<i32>} : memref<128x64xf32, #tpu.memory_space<vmem>>, vector<1x16xf32>,
      %swap3A_238 = arith.index_cast %add3A_156 : i32 to index
      %swap3A_239 = arith.constant 48 : index
      %swap3A_240 = tpu.vector_load %arg8[%swap3A_238, %swap3A_239] {strides = array<i32>} : memref<128x64xf32, #tpu.memory_space<vmem>>, vector<1x16xf32>,
      %swap3A_241 = vector.shape_cast %swap3A_240 : vector<1x16xf32> to vector<16xf32>
      %swap3A_242 = vector.shape_cast %scan3A_201#7 : vector<16xf32> to vector<1x16xf32>
      tpu.vector_store %arg8[%swap3A_238, %swap3A_239], %swap3A_242 {strides = array<i32>} : memref<128x64xf32, #tpu.memory_space<vmem>>, vector<1x16xf32>,
      %add3A_243 = arith.constant 2 : i32
      %add3A_244 = arith.addi %mul3A_73, %add3A_243 : i32
      %add3A_245 = arith.constant 4 : i32
      %add3A_246 = arith.addi %add3A_244, %add3A_245 : i32
      %sub3A_247 = arith.constant 1 : i32
      %sub3A_248 = arith.subi %add3A_246, %sub3A_247 : i32
      %lt3A_249 = arith.constant 128 : i32
      %lt3A_250 = arith.cmpi slt, %sub3A_248, %lt3A_249 : i32
      %convert_element_type3A_251 = arith.extui %lt3A_250 : i1 to i32
      %cond3A_252 = arith.constant 0 : i32
      %cond3A_253 = arith.cmpi ne, %convert_element_type3A_251, %cond3A_252 : i32
      scf.if %cond3A_253 {
        %add3A_419 = arith.constant 4 : i32
        %add3A_420 = arith.addi %add3A_244, %add3A_419 : i32
        %sub3A_421 = arith.constant 1 : i32
        %sub3A_422 = arith.subi %add3A_420, %sub3A_421 : i32
        %mul3A_423 = arith.constant 200 : i32
        %mul3A_424 = arith.muli %sub3A_422, %mul3A_423 : i32
        %dma_start3A_425 = arith.constant 1 : i32
        %dma_start3A_426 = arith.constant 0 : i32
        %dma_start3A_427 = arith.constant 0 : i32
        %dma_start3A_428 = tpu.memref_slice %arg6[%dma_start3A_425, %dma_start3A_426, %dma_start3A_427] : memref<4x200x64xf32, #tpu.memory_space<vmem>> -> memref<1x104x64xf32, #tpu.memory_space<vmem>>
        %dma_start3A_429 = tpu.memref_squeeze %dma_start3A_428 : memref<1x104x64xf32, #tpu.memory_space<vmem>> -> memref<104x64xf32, #tpu.memory_space<vmem>>
        %dma_start3A_430 = tpu.memref_slice %arg5[%mul3A_424] : memref<25600xi32, #tpu.memory_space<vmem>> -> memref<104xi32, #tpu.memory_space<vmem>>
        %dma_start3A_431 = arith.constant 0 : i32
        %dma_start3A_432 = arith.constant 0 : i32
        %dma_start3A_433 = tpu.memref_slice %arg3[%dma_start3A_431, %dma_start3A_432] : memref<100000x64xf32, #tpu.memory_space<hbm>> -> memref<100000x64xf32, #tpu.memory_space<hbm>>
        tpu.enqueue_indirect_dma source(%dma_start3A_433 : memref<100000x64xf32, #tpu.memory_space<hbm>>) target(%dma_start3A_429 : memref<104x64xf32, #tpu.memory_space<vmem>>) offsets(%dma_start3A_430 : memref<104xi32, #tpu.memory_space<vmem>>) semaphore(%arg10 : memref<!tpu.dma_semaphore, #tpu.memory_space<semaphore_mem>>)
        %mul3A_434 = arith.constant 200 : i32
        %mul3A_435 = arith.muli %sub3A_422, %mul3A_434 : i32
        %add3A_436 = arith.constant 104 : i32
        %add3A_437 = arith.addi %mul3A_435, %add3A_436 : i32
        %dma_start3A_438 = arith.constant 1 : i32
        %dma_start3A_439 = arith.constant 104 : i32
        %dma_start3A_440 = arith.constant 0 : i32
        %dma_start3A_441 = tpu.memref_slice %arg6[%dma_start3A_438, %dma_start3A_439, %dma_start3A_440] : memref<4x200x64xf32, #tpu.memory_space<vmem>> -> memref<1x96x64xf32, #tpu.memory_space<vmem>>
        %dma_start3A_442 = tpu.memref_squeeze %dma_start3A_441 : memref<1x96x64xf32, #tpu.memory_space<vmem>> -> memref<96x64xf32, #tpu.memory_space<vmem>>
        %dma_start3A_443 = tpu.memref_slice %arg5[%add3A_437] : memref<25600xi32, #tpu.memory_space<vmem>> -> memref<96xi32, #tpu.memory_space<vmem>>
        %dma_start3A_444 = arith.constant 0 : i32
        %dma_start3A_445 = arith.constant 0 : i32
        %dma_start3A_446 = tpu.memref_slice %arg3[%dma_start3A_444, %dma_start3A_445] : memref<100000x64xf32, #tpu.memory_space<hbm>> -> memref<100000x64xf32, #tpu.memory_space<hbm>>
        tpu.enqueue_indirect_dma source(%dma_start3A_446 : memref<100000x64xf32, #tpu.memory_space<hbm>>) target(%dma_start3A_442 : memref<96x64xf32, #tpu.memory_space<vmem>>) offsets(%dma_start3A_443 : memref<96xi32, #tpu.memory_space<vmem>>) semaphore(%arg10 : memref<!tpu.dma_semaphore, #tpu.memory_space<semaphore_mem>>)
      } else {
      }
      %dma_wait3A_254 = arith.constant 2 : i32
      %dma_wait3A_255 = arith.constant 0 : i32
      %dma_wait3A_256 = arith.constant 0 : i32
      %dma_wait3A_257 = tpu.memref_slice %arg6[%dma_wait3A_254, %dma_wait3A_255, %dma_wait3A_256] : memref<4x200x64xf32, #tpu.memory_space<vmem>> -> memref<1x200x64xf32, #tpu.memory_space<vmem>>
      %dma_wait3A_258 = tpu.memref_squeeze %dma_wait3A_257 : memref<1x200x64xf32, #tpu.memory_space<vmem>> -> memref<200x64xf32, #tpu.memory_space<vmem>>
      %dma_wait3A_259 = arith.constant 0 : i32
      %dma_wait3A_260 = arith.constant 0 : i32
      %dma_wait3A_261 = tpu.memref_slice %arg3[%dma_wait3A_259, %dma_wait3A_260] : memref<100000x64xf32, #tpu.memory_space<hbm>> -> memref<200x64xf32, #tpu.memory_space<hbm>>
      %dma_wait3A_262 = arith.constant 0 : i32
      %dma_wait3A_263 = arith.constant 0 : i32
      %dma_wait3A_264 = tpu.memref_slice %arg6[%dma_wait3A_254, %dma_wait3A_262, %dma_wait3A_263] : memref<4x200x64xf32, #tpu.memory_space<vmem>> -> memref<1x200x64xf32, #tpu.memory_space<vmem>>
      %dma_wait3A_265 = tpu.memref_squeeze %dma_wait3A_264 : memref<1x200x64xf32, #tpu.memory_space<vmem>> -> memref<200x64xf32, #tpu.memory_space<vmem>>
      %dma_wait3A_266 = arith.constant 0 : i32
      %dma_wait3A_267 = arith.constant 0 : i32
      %dma_wait3A_268 = tpu.memref_slice %arg3[%dma_wait3A_266, %dma_wait3A_267] : memref<100000x64xf32, #tpu.memory_space<hbm>> -> memref<200x64xf32, #tpu.memory_space<hbm>>
      tpu.wait_dma2 semaphore(%arg11 : memref<!tpu.dma_semaphore, #tpu.memory_space<semaphore_mem>>) src(%dma_wait3A_268 : memref<200x64xf32, #tpu.memory_space<hbm>>) dst(%dma_wait3A_265 : memref<200x64xf32, #tpu.memory_space<vmem>>)
      %broadcast_in_dim3A_269 = arith.constant 0.000000e+00 : f32
      %broadcast_in_dim3A_270 = vector.broadcast %broadcast_in_dim3A_269 : f32 to vector<16xf32>
      %broadcast_in_dim3A_271 = arith.constant 0.000000e+00 : f32
      %broadcast_in_dim3A_272 = vector.broadcast %broadcast_in_dim3A_271 : f32 to vector<16xf32>
      %broadcast_in_dim3A_273 = arith.constant 0.000000e+00 : f32
      %broadcast_in_dim3A_274 = vector.broadcast %broadcast_in_dim3A_273 : f32 to vector<16xf32>
      %broadcast_in_dim3A_275 = arith.constant 0.000000e+00 : f32
      %broadcast_in_dim3A_276 = vector.broadcast %broadcast_in_dim3A_275 : f32 to vector<16xf32>
      %broadcast_in_dim3A_277 = arith.constant 0xFF800000 : f32
      %broadcast_in_dim3A_278 = vector.broadcast %broadcast_in_dim3A_277 : f32 to vector<16xf32>
      %broadcast_in_dim3A_279 = arith.constant 0xFF800000 : f32
      %broadcast_in_dim3A_280 = vector.broadcast %broadcast_in_dim3A_279 : f32 to vector<16xf32>
      %broadcast_in_dim3A_281 = arith.constant 0xFF800000 : f32
      %broadcast_in_dim3A_282 = vector.broadcast %broadcast_in_dim3A_281 : f32 to vector<16xf32>
      %broadcast_in_dim3A_283 = arith.constant 0xFF800000 : f32
      %broadcast_in_dim3A_284 = vector.broadcast %broadcast_in_dim3A_283 : f32 to vector<16xf32>
      %scan3A_285 = arith.constant 0 : i32
      %scan3A_286 = arith.constant 200 : i32
      %scan3A_287 = arith.addi %scan3A_285, %scan3A_286 : i32
      %scan3A_288 = arith.constant 8 : i32
      %scan3A_289:8 = scf.for %scan3A_419 = %scan3A_285 to %scan3A_287 step %scan3A_288 iter_args(%scan3A_420 = %broadcast_in_dim3A_270, %scan3A_421 = %broadcast_in_dim3A_272, %scan3A_422 = %broadcast_in_dim3A_274, %scan3A_423 = %broadcast_in_dim3A_276, %scan3A_424 = %broadcast_in_dim3A_278, %scan3A_425 = %broadcast_in_dim3A_280, %scan3A_426 = %broadcast_in_dim3A_282, %scan3A_427 = %broadcast_in_dim3A_284) -> (vector<16xf32>, vector<16xf32>, vector<16xf32>, vector<16xf32>, vector<16xf32>, vector<16xf32>, vector<16xf32>, vector<16xf32>)  : i32 {
        %get3A = arith.constant 2 : i32
        %get3A_428 = arith.index_cast %get3A : i32 to index
        %get3A_429 = arith.index_cast %scan3A_419 : i32 to index
        %get3A_430 = arith.constant 0 : index
        %get3A_431 = tpu.vector_load %arg6[%get3A_428, %get3A_429, %get3A_430] {strides = array<i32>} : memref<4x200x64xf32, #tpu.memory_space<vmem>>, vector<1x1x16xf32>,
        %get3A_432 = vector.shape_cast %get3A_431 : vector<1x1x16xf32> to vector<16xf32>
        %add3A_433 = arith.addf %scan3A_420, %get3A_432 : vector<16xf32>
        %max3A = arith.maximumf %scan3A_424, %get3A_432 : vector<16xf32>
        %get3A_434 = arith.constant 2 : i32
        %get3A_435 = arith.index_cast %get3A_434 : i32 to index
        %get3A_436 = arith.index_cast %scan3A_419 : i32 to index
        %get3A_437 = arith.constant 16 : index
        %get3A_438 = tpu.vector_load %arg6[%get3A_435, %get3A_436, %get3A_437] {strides = array<i32>} : memref<4x200x64xf32, #tpu.memory_space<vmem>>, vector<1x1x16xf32>,
        %get3A_439 = vector.shape_cast %get3A_438 : vector<1x1x16xf32> to vector<16xf32>
        %add3A_440 = arith.addf %scan3A_421, %get3A_439 : vector<16xf32>
        %max3A_441 = arith.maximumf %scan3A_425, %get3A_439 : vector<16xf32>
        %get3A_442 = arith.constant 2 : i32
        %get3A_443 = arith.index_cast %get3A_442 : i32 to index
        %get3A_444 = arith.index_cast %scan3A_419 : i32 to index
        %get3A_445 = arith.constant 32 : index
        %get3A_446 = tpu.vector_load %arg6[%get3A_443, %get3A_444, %get3A_445] {strides = array<i32>} : memref<4x200x64xf32, #tpu.memory_space<vmem>>, vector<1x1x16xf32>,
        %get3A_447 = vector.shape_cast %get3A_446 : vector<1x1x16xf32> to vector<16xf32>
        %add3A_448 = arith.addf %scan3A_422, %get3A_447 : vector<16xf32>
        %max3A_449 = arith.maximumf %scan3A_426, %get3A_447 : vector<16xf32>
        %get3A_450 = arith.constant 2 : i32
        %get3A_451 = arith.index_cast %get3A_450 : i32 to index
        %get3A_452 = arith.index_cast %scan3A_419 : i32 to index
        %get3A_453 = arith.constant 48 : index
        %get3A_454 = tpu.vector_load %arg6[%get3A_451, %get3A_452, %get3A_453] {strides = array<i32>} : memref<4x200x64xf32, #tpu.memory_space<vmem>>, vector<1x1x16xf32>,
        %get3A_455 = vector.shape_cast %get3A_454 : vector<1x1x16xf32> to vector<16xf32>
        %add3A_456 = arith.addf %scan3A_423, %get3A_455 : vector<16xf32>
        %max3A_457 = arith.maximumf %scan3A_427, %get3A_455 : vector<16xf32>
        %scan3A_458 = arith.constant 1 : i32
        %scan3A_459 = arith.addi %scan3A_419, %scan3A_458 : i32
        %get3A_460 = arith.constant 2 : i32
        %get3A_461 = arith.index_cast %get3A_460 : i32 to index
        %get3A_462 = arith.index_cast %scan3A_459 : i32 to index
        %get3A_463 = arith.constant 0 : index
        %get3A_464 = tpu.vector_load %arg6[%get3A_461, %get3A_462, %get3A_463] {strides = array<i32>} : memref<4x200x64xf32, #tpu.memory_space<vmem>>, vector<1x1x16xf32>,
        %get3A_465 = vector.shape_cast %get3A_464 : vector<1x1x16xf32> to vector<16xf32>
        %add3A_466 = arith.addf %add3A_433, %get3A_465 : vector<16xf32>
        %max3A_467 = arith.maximumf %max3A, %get3A_465 : vector<16xf32>
        %get3A_468 = arith.constant 2 : i32
        %get3A_469 = arith.index_cast %get3A_468 : i32 to index
        %get3A_470 = arith.index_cast %scan3A_459 : i32 to index
        %get3A_471 = arith.constant 16 : index
        %get3A_472 = tpu.vector_load %arg6[%get3A_469, %get3A_470, %get3A_471] {strides = array<i32>} : memref<4x200x64xf32, #tpu.memory_space<vmem>>, vector<1x1x16xf32>,
        %get3A_473 = vector.shape_cast %get3A_472 : vector<1x1x16xf32> to vector<16xf32>
        %add3A_474 = arith.addf %add3A_440, %get3A_473 : vector<16xf32>
        %max3A_475 = arith.maximumf %max3A_441, %get3A_473 : vector<16xf32>
        %get3A_476 = arith.constant 2 : i32
        %get3A_477 = arith.index_cast %get3A_476 : i32 to index
        %get3A_478 = arith.index_cast %scan3A_459 : i32 to index
        %get3A_479 = arith.constant 32 : index
        %get3A_480 = tpu.vector_load %arg6[%get3A_477, %get3A_478, %get3A_479] {strides = array<i32>} : memref<4x200x64xf32, #tpu.memory_space<vmem>>, vector<1x1x16xf32>,
        %get3A_481 = vector.shape_cast %get3A_480 : vector<1x1x16xf32> to vector<16xf32>
        %add3A_482 = arith.addf %add3A_448, %get3A_481 : vector<16xf32>
        %max3A_483 = arith.maximumf %max3A_449, %get3A_481 : vector<16xf32>
        %get3A_484 = arith.constant 2 : i32
        %get3A_485 = arith.index_cast %get3A_484 : i32 to index
        %get3A_486 = arith.index_cast %scan3A_459 : i32 to index
        %get3A_487 = arith.constant 48 : index
        %get3A_488 = tpu.vector_load %arg6[%get3A_485, %get3A_486, %get3A_487] {strides = array<i32>} : memref<4x200x64xf32, #tpu.memory_space<vmem>>, vector<1x1x16xf32>,
        %get3A_489 = vector.shape_cast %get3A_488 : vector<1x1x16xf32> to vector<16xf32>
        %add3A_490 = arith.addf %add3A_456, %get3A_489 : vector<16xf32>
        %max3A_491 = arith.maximumf %max3A_457, %get3A_489 : vector<16xf32>
        %scan3A_492 = arith.constant 2 : i32
        %scan3A_493 = arith.addi %scan3A_419, %scan3A_492 : i32
        %get3A_494 = arith.constant 2 : i32
        %get3A_495 = arith.index_cast %get3A_494 : i32 to index
        %get3A_496 = arith.index_cast %scan3A_493 : i32 to index
        %get3A_497 = arith.constant 0 : index
        %get3A_498 = tpu.vector_load %arg6[%get3A_495, %get3A_496, %get3A_497] {strides = array<i32>} : memref<4x200x64xf32, #tpu.memory_space<vmem>>, vector<1x1x16xf32>,
        %get3A_499 = vector.shape_cast %get3A_498 : vector<1x1x16xf32> to vector<16xf32>
        %add3A_500 = arith.addf %add3A_466, %get3A_499 : vector<16xf32>
        %max3A_501 = arith.maximumf %max3A_467, %get3A_499 : vector<16xf32>
        %get3A_502 = arith.constant 2 : i32
        %get3A_503 = arith.index_cast %get3A_502 : i32 to index
        %get3A_504 = arith.index_cast %scan3A_493 : i32 to index
        %get3A_505 = arith.constant 16 : index
        %get3A_506 = tpu.vector_load %arg6[%get3A_503, %get3A_504, %get3A_505] {strides = array<i32>} : memref<4x200x64xf32, #tpu.memory_space<vmem>>, vector<1x1x16xf32>,
        %get3A_507 = vector.shape_cast %get3A_506 : vector<1x1x16xf32> to vector<16xf32>
        %add3A_508 = arith.addf %add3A_474, %get3A_507 : vector<16xf32>
        %max3A_509 = arith.maximumf %max3A_475, %get3A_507 : vector<16xf32>
        %get3A_510 = arith.constant 2 : i32
        %get3A_511 = arith.index_cast %get3A_510 : i32 to index
        %get3A_512 = arith.index_cast %scan3A_493 : i32 to index
        %get3A_513 = arith.constant 32 : index
        %get3A_514 = tpu.vector_load %arg6[%get3A_511, %get3A_512, %get3A_513] {strides = array<i32>} : memref<4x200x64xf32, #tpu.memory_space<vmem>>, vector<1x1x16xf32>,
        %get3A_515 = vector.shape_cast %get3A_514 : vector<1x1x16xf32> to vector<16xf32>
        %add3A_516 = arith.addf %add3A_482, %get3A_515 : vector<16xf32>
        %max3A_517 = arith.maximumf %max3A_483, %get3A_515 : vector<16xf32>
        %get3A_518 = arith.constant 2 : i32
        %get3A_519 = arith.index_cast %get3A_518 : i32 to index
        %get3A_520 = arith.index_cast %scan3A_493 : i32 to index
        %get3A_521 = arith.constant 48 : index
        %get3A_522 = tpu.vector_load %arg6[%get3A_519, %get3A_520, %get3A_521] {strides = array<i32>} : memref<4x200x64xf32, #tpu.memory_space<vmem>>, vector<1x1x16xf32>,
        %get3A_523 = vector.shape_cast %get3A_522 : vector<1x1x16xf32> to vector<16xf32>
        %add3A_524 = arith.addf %add3A_490, %get3A_523 : vector<16xf32>
        %max3A_525 = arith.maximumf %max3A_491, %get3A_523 : vector<16xf32>
        %scan3A_526 = arith.constant 3 : i32
        %scan3A_527 = arith.addi %scan3A_419, %scan3A_526 : i32
        %get3A_528 = arith.constant 2 : i32
        %get3A_529 = arith.index_cast %get3A_528 : i32 to index
        %get3A_530 = arith.index_cast %scan3A_527 : i32 to index
        %get3A_531 = arith.constant 0 : index
        %get3A_532 = tpu.vector_load %arg6[%get3A_529, %get3A_530, %get3A_531] {strides = array<i32>} : memref<4x200x64xf32, #tpu.memory_space<vmem>>, vector<1x1x16xf32>,
        %get3A_533 = vector.shape_cast %get3A_532 : vector<1x1x16xf32> to vector<16xf32>
        %add3A_534 = arith.addf %add3A_500, %get3A_533 : vector<16xf32>
        %max3A_535 = arith.maximumf %max3A_501, %get3A_533 : vector<16xf32>
        %get3A_536 = arith.constant 2 : i32
        %get3A_537 = arith.index_cast %get3A_536 : i32 to index
        %get3A_538 = arith.index_cast %scan3A_527 : i32 to index
        %get3A_539 = arith.constant 16 : index
        %get3A_540 = tpu.vector_load %arg6[%get3A_537, %get3A_538, %get3A_539] {strides = array<i32>} : memref<4x200x64xf32, #tpu.memory_space<vmem>>, vector<1x1x16xf32>,
        %get3A_541 = vector.shape_cast %get3A_540 : vector<1x1x16xf32> to vector<16xf32>
        %add3A_542 = arith.addf %add3A_508, %get3A_541 : vector<16xf32>
        %max3A_543 = arith.maximumf %max3A_509, %get3A_541 : vector<16xf32>
        %get3A_544 = arith.constant 2 : i32
        %get3A_545 = arith.index_cast %get3A_544 : i32 to index
        %get3A_546 = arith.index_cast %scan3A_527 : i32 to index
        %get3A_547 = arith.constant 32 : index
        %get3A_548 = tpu.vector_load %arg6[%get3A_545, %get3A_546, %get3A_547] {strides = array<i32>} : memref<4x200x64xf32, #tpu.memory_space<vmem>>, vector<1x1x16xf32>,
        %get3A_549 = vector.shape_cast %get3A_548 : vector<1x1x16xf32> to vector<16xf32>
        %add3A_550 = arith.addf %add3A_516, %get3A_549 : vector<16xf32>
        %max3A_551 = arith.maximumf %max3A_517, %get3A_549 : vector<16xf32>
        %get3A_552 = arith.constant 2 : i32
        %get3A_553 = arith.index_cast %get3A_552 : i32 to index
        %get3A_554 = arith.index_cast %scan3A_527 : i32 to index
        %get3A_555 = arith.constant 48 : index
        %get3A_556 = tpu.vector_load %arg6[%get3A_553, %get3A_554, %get3A_555] {strides = array<i32>} : memref<4x200x64xf32, #tpu.memory_space<vmem>>, vector<1x1x16xf32>,
        %get3A_557 = vector.shape_cast %get3A_556 : vector<1x1x16xf32> to vector<16xf32>
        %add3A_558 = arith.addf %add3A_524, %get3A_557 : vector<16xf32>
        %max3A_559 = arith.maximumf %max3A_525, %get3A_557 : vector<16xf32>
        %scan3A_560 = arith.constant 4 : i32
        %scan3A_561 = arith.addi %scan3A_419, %scan3A_560 : i32
        %get3A_562 = arith.constant 2 : i32
        %get3A_563 = arith.index_cast %get3A_562 : i32 to index
        %get3A_564 = arith.index_cast %scan3A_561 : i32 to index
        %get3A_565 = arith.constant 0 : index
        %get3A_566 = tpu.vector_load %arg6[%get3A_563, %get3A_564, %get3A_565] {strides = array<i32>} : memref<4x200x64xf32, #tpu.memory_space<vmem>>, vector<1x1x16xf32>,
        %get3A_567 = vector.shape_cast %get3A_566 : vector<1x1x16xf32> to vector<16xf32>
        %add3A_568 = arith.addf %add3A_534, %get3A_567 : vector<16xf32>
        %max3A_569 = arith.maximumf %max3A_535, %get3A_567 : vector<16xf32>
        %get3A_570 = arith.constant 2 : i32
        %get3A_571 = arith.index_cast %get3A_570 : i32 to index
        %get3A_572 = arith.index_cast %scan3A_561 : i32 to index
        %get3A_573 = arith.constant 16 : index
        %get3A_574 = tpu.vector_load %arg6[%get3A_571, %get3A_572, %get3A_573] {strides = array<i32>} : memref<4x200x64xf32, #tpu.memory_space<vmem>>, vector<1x1x16xf32>,
        %get3A_575 = vector.shape_cast %get3A_574 : vector<1x1x16xf32> to vector<16xf32>
        %add3A_576 = arith.addf %add3A_542, %get3A_575 : vector<16xf32>
        %max3A_577 = arith.maximumf %max3A_543, %get3A_575 : vector<16xf32>
        %get3A_578 = arith.constant 2 : i32
        %get3A_579 = arith.index_cast %get3A_578 : i32 to index
        %get3A_580 = arith.index_cast %scan3A_561 : i32 to index
        %get3A_581 = arith.constant 32 : index
        %get3A_582 = tpu.vector_load %arg6[%get3A_579, %get3A_580, %get3A_581] {strides = array<i32>} : memref<4x200x64xf32, #tpu.memory_space<vmem>>, vector<1x1x16xf32>,
        %get3A_583 = vector.shape_cast %get3A_582 : vector<1x1x16xf32> to vector<16xf32>
        %add3A_584 = arith.addf %add3A_550, %get3A_583 : vector<16xf32>
        %max3A_585 = arith.maximumf %max3A_551, %get3A_583 : vector<16xf32>
        %get3A_586 = arith.constant 2 : i32
        %get3A_587 = arith.index_cast %get3A_586 : i32 to index
        %get3A_588 = arith.index_cast %scan3A_561 : i32 to index
        %get3A_589 = arith.constant 48 : index
        %get3A_590 = tpu.vector_load %arg6[%get3A_587, %get3A_588, %get3A_589] {strides = array<i32>} : memref<4x200x64xf32, #tpu.memory_space<vmem>>, vector<1x1x16xf32>,
        %get3A_591 = vector.shape_cast %get3A_590 : vector<1x1x16xf32> to vector<16xf32>
        %add3A_592 = arith.addf %add3A_558, %get3A_591 : vector<16xf32>
        %max3A_593 = arith.maximumf %max3A_559, %get3A_591 : vector<16xf32>
        %scan3A_594 = arith.constant 5 : i32
        %scan3A_595 = arith.addi %scan3A_419, %scan3A_594 : i32
        %get3A_596 = arith.constant 2 : i32
        %get3A_597 = arith.index_cast %get3A_596 : i32 to index
        %get3A_598 = arith.index_cast %scan3A_595 : i32 to index
        %get3A_599 = arith.constant 0 : index
        %get3A_600 = tpu.vector_load %arg6[%get3A_597, %get3A_598, %get3A_599] {strides = array<i32>} : memref<4x200x64xf32, #tpu.memory_space<vmem>>, vector<1x1x16xf32>,
        %get3A_601 = vector.shape_cast %get3A_600 : vector<1x1x16xf32> to vector<16xf32>
        %add3A_602 = arith.addf %add3A_568, %get3A_601 : vector<16xf32>
        %max3A_603 = arith.maximumf %max3A_569, %get3A_601 : vector<16xf32>
        %get3A_604 = arith.constant 2 : i32
        %get3A_605 = arith.index_cast %get3A_604 : i32 to index
        %get3A_606 = arith.index_cast %scan3A_595 : i32 to index
        %get3A_607 = arith.constant 16 : index
        %get3A_608 = tpu.vector_load %arg6[%get3A_605, %get3A_606, %get3A_607] {strides = array<i32>} : memref<4x200x64xf32, #tpu.memory_space<vmem>>, vector<1x1x16xf32>,
        %get3A_609 = vector.shape_cast %get3A_608 : vector<1x1x16xf32> to vector<16xf32>
        %add3A_610 = arith.addf %add3A_576, %get3A_609 : vector<16xf32>
        %max3A_611 = arith.maximumf %max3A_577, %get3A_609 : vector<16xf32>
        %get3A_612 = arith.constant 2 : i32
        %get3A_613 = arith.index_cast %get3A_612 : i32 to index
        %get3A_614 = arith.index_cast %scan3A_595 : i32 to index
        %get3A_615 = arith.constant 32 : index
        %get3A_616 = tpu.vector_load %arg6[%get3A_613, %get3A_614, %get3A_615] {strides = array<i32>} : memref<4x200x64xf32, #tpu.memory_space<vmem>>, vector<1x1x16xf32>,
        %get3A_617 = vector.shape_cast %get3A_616 : vector<1x1x16xf32> to vector<16xf32>
        %add3A_618 = arith.addf %add3A_584, %get3A_617 : vector<16xf32>
        %max3A_619 = arith.maximumf %max3A_585, %get3A_617 : vector<16xf32>
        %get3A_620 = arith.constant 2 : i32
        %get3A_621 = arith.index_cast %get3A_620 : i32 to index
        %get3A_622 = arith.index_cast %scan3A_595 : i32 to index
        %get3A_623 = arith.constant 48 : index
        %get3A_624 = tpu.vector_load %arg6[%get3A_621, %get3A_622, %get3A_623] {strides = array<i32>} : memref<4x200x64xf32, #tpu.memory_space<vmem>>, vector<1x1x16xf32>,
        %get3A_625 = vector.shape_cast %get3A_624 : vector<1x1x16xf32> to vector<16xf32>
        %add3A_626 = arith.addf %add3A_592, %get3A_625 : vector<16xf32>
        %max3A_627 = arith.maximumf %max3A_593, %get3A_625 : vector<16xf32>
        %scan3A_628 = arith.constant 6 : i32
        %scan3A_629 = arith.addi %scan3A_419, %scan3A_628 : i32
        %get3A_630 = arith.constant 2 : i32
        %get3A_631 = arith.index_cast %get3A_630 : i32 to index
        %get3A_632 = arith.index_cast %scan3A_629 : i32 to index
        %get3A_633 = arith.constant 0 : index
        %get3A_634 = tpu.vector_load %arg6[%get3A_631, %get3A_632, %get3A_633] {strides = array<i32>} : memref<4x200x64xf32, #tpu.memory_space<vmem>>, vector<1x1x16xf32>,
        %get3A_635 = vector.shape_cast %get3A_634 : vector<1x1x16xf32> to vector<16xf32>
        %add3A_636 = arith.addf %add3A_602, %get3A_635 : vector<16xf32>
        %max3A_637 = arith.maximumf %max3A_603, %get3A_635 : vector<16xf32>
        %get3A_638 = arith.constant 2 : i32
        %get3A_639 = arith.index_cast %get3A_638 : i32 to index
        %get3A_640 = arith.index_cast %scan3A_629 : i32 to index
        %get3A_641 = arith.constant 16 : index
        %get3A_642 = tpu.vector_load %arg6[%get3A_639, %get3A_640, %get3A_641] {strides = array<i32>} : memref<4x200x64xf32, #tpu.memory_space<vmem>>, vector<1x1x16xf32>,
        %get3A_643 = vector.shape_cast %get3A_642 : vector<1x1x16xf32> to vector<16xf32>
        %add3A_644 = arith.addf %add3A_610, %get3A_643 : vector<16xf32>
        %max3A_645 = arith.maximumf %max3A_611, %get3A_643 : vector<16xf32>
        %get3A_646 = arith.constant 2 : i32
        %get3A_647 = arith.index_cast %get3A_646 : i32 to index
        %get3A_648 = arith.index_cast %scan3A_629 : i32 to index
        %get3A_649 = arith.constant 32 : index
        %get3A_650 = tpu.vector_load %arg6[%get3A_647, %get3A_648, %get3A_649] {strides = array<i32>} : memref<4x200x64xf32, #tpu.memory_space<vmem>>, vector<1x1x16xf32>,
        %get3A_651 = vector.shape_cast %get3A_650 : vector<1x1x16xf32> to vector<16xf32>
        %add3A_652 = arith.addf %add3A_618, %get3A_651 : vector<16xf32>
        %max3A_653 = arith.maximumf %max3A_619, %get3A_651 : vector<16xf32>
        %get3A_654 = arith.constant 2 : i32
        %get3A_655 = arith.index_cast %get3A_654 : i32 to index
        %get3A_656 = arith.index_cast %scan3A_629 : i32 to index
        %get3A_657 = arith.constant 48 : index
        %get3A_658 = tpu.vector_load %arg6[%get3A_655, %get3A_656, %get3A_657] {strides = array<i32>} : memref<4x200x64xf32, #tpu.memory_space<vmem>>, vector<1x1x16xf32>,
        %get3A_659 = vector.shape_cast %get3A_658 : vector<1x1x16xf32> to vector<16xf32>
        %add3A_660 = arith.addf %add3A_626, %get3A_659 : vector<16xf32>
        %max3A_661 = arith.maximumf %max3A_627, %get3A_659 : vector<16xf32>
        %scan3A_662 = arith.constant 7 : i32
        %scan3A_663 = arith.addi %scan3A_419, %scan3A_662 : i32
        %get3A_664 = arith.constant 2 : i32
        %get3A_665 = arith.index_cast %get3A_664 : i32 to index
        %get3A_666 = arith.index_cast %scan3A_663 : i32 to index
        %get3A_667 = arith.constant 0 : index
        %get3A_668 = tpu.vector_load %arg6[%get3A_665, %get3A_666, %get3A_667] {strides = array<i32>} : memref<4x200x64xf32, #tpu.memory_space<vmem>>, vector<1x1x16xf32>,
        %get3A_669 = vector.shape_cast %get3A_668 : vector<1x1x16xf32> to vector<16xf32>
        %add3A_670 = arith.addf %add3A_636, %get3A_669 : vector<16xf32>
        %max3A_671 = arith.maximumf %max3A_637, %get3A_669 : vector<16xf32>
        %get3A_672 = arith.constant 2 : i32
        %get3A_673 = arith.index_cast %get3A_672 : i32 to index
        %get3A_674 = arith.index_cast %scan3A_663 : i32 to index
        %get3A_675 = arith.constant 16 : index
        %get3A_676 = tpu.vector_load %arg6[%get3A_673, %get3A_674, %get3A_675] {strides = array<i32>} : memref<4x200x64xf32, #tpu.memory_space<vmem>>, vector<1x1x16xf32>,
        %get3A_677 = vector.shape_cast %get3A_676 : vector<1x1x16xf32> to vector<16xf32>
        %add3A_678 = arith.addf %add3A_644, %get3A_677 : vector<16xf32>
        %max3A_679 = arith.maximumf %max3A_645, %get3A_677 : vector<16xf32>
        %get3A_680 = arith.constant 2 : i32
        %get3A_681 = arith.index_cast %get3A_680 : i32 to index
        %get3A_682 = arith.index_cast %scan3A_663 : i32 to index
        %get3A_683 = arith.constant 32 : index
        %get3A_684 = tpu.vector_load %arg6[%get3A_681, %get3A_682, %get3A_683] {strides = array<i32>} : memref<4x200x64xf32, #tpu.memory_space<vmem>>, vector<1x1x16xf32>,
        %get3A_685 = vector.shape_cast %get3A_684 : vector<1x1x16xf32> to vector<16xf32>
        %add3A_686 = arith.addf %add3A_652, %get3A_685 : vector<16xf32>
        %max3A_687 = arith.maximumf %max3A_653, %get3A_685 : vector<16xf32>
        %get3A_688 = arith.constant 2 : i32
        %get3A_689 = arith.index_cast %get3A_688 : i32 to index
        %get3A_690 = arith.index_cast %scan3A_663 : i32 to index
        %get3A_691 = arith.constant 48 : index
        %get3A_692 = tpu.vector_load %arg6[%get3A_689, %get3A_690, %get3A_691] {strides = array<i32>} : memref<4x200x64xf32, #tpu.memory_space<vmem>>, vector<1x1x16xf32>,
        %get3A_693 = vector.shape_cast %get3A_692 : vector<1x1x16xf32> to vector<16xf32>
        %add3A_694 = arith.addf %add3A_660, %get3A_693 : vector<16xf32>
        %max3A_695 = arith.maximumf %max3A_661, %get3A_693 : vector<16xf32>
        scf.yield %add3A_670, %add3A_678, %add3A_686, %add3A_694, %max3A_671, %max3A_679, %max3A_687, %max3A_695 : vector<16xf32>, vector<16xf32>, vector<16xf32>, vector<16xf32>, vector<16xf32>, vector<16xf32>, vector<16xf32>, vector<16xf32>
      }
      %scan3A_290 = arith.constant 200 : i32
      %swap3A_291 = arith.index_cast %add3A_244 : i32 to index
      %swap3A_292 = arith.constant 0 : index
      %swap3A_293 = tpu.vector_load %arg7[%swap3A_291, %swap3A_292] {strides = array<i32>} : memref<128x64xf32, #tpu.memory_space<vmem>>, vector<1x16xf32>,
      %swap3A_294 = vector.shape_cast %swap3A_293 : vector<1x16xf32> to vector<16xf32>
      %swap3A_295 = vector.shape_cast %scan3A_289#0 : vector<16xf32> to vector<1x16xf32>
      tpu.vector_store %arg7[%swap3A_291, %swap3A_292], %swap3A_295 {strides = array<i32>} : memref<128x64xf32, #tpu.memory_space<vmem>>, vector<1x16xf32>,
      %swap3A_296 = arith.index_cast %add3A_244 : i32 to index
      %swap3A_297 = arith.constant 0 : index
      %swap3A_298 = tpu.vector_load %arg8[%swap3A_296, %swap3A_297] {strides = array<i32>} : memref<128x64xf32, #tpu.memory_space<vmem>>, vector<1x16xf32>,
      %swap3A_299 = vector.shape_cast %swap3A_298 : vector<1x16xf32> to vector<16xf32>
      %swap3A_300 = vector.shape_cast %scan3A_289#4 : vector<16xf32> to vector<1x16xf32>
      tpu.vector_store %arg8[%swap3A_296, %swap3A_297], %swap3A_300 {strides = array<i32>} : memref<128x64xf32, #tpu.memory_space<vmem>>, vector<1x16xf32>,
      %swap3A_301 = arith.index_cast %add3A_244 : i32 to index
      %swap3A_302 = arith.constant 16 : index
      %swap3A_303 = tpu.vector_load %arg7[%swap3A_301, %swap3A_302] {strides = array<i32>} : memref<128x64xf32, #tpu.memory_space<vmem>>, vector<1x16xf32>,
      %swap3A_304 = vector.shape_cast %swap3A_303 : vector<1x16xf32> to vector<16xf32>
      %swap3A_305 = vector.shape_cast %scan3A_289#1 : vector<16xf32> to vector<1x16xf32>
      tpu.vector_store %arg7[%swap3A_301, %swap3A_302], %swap3A_305 {strides = array<i32>} : memref<128x64xf32, #tpu.memory_space<vmem>>, vector<1x16xf32>,
      %swap3A_306 = arith.index_cast %add3A_244 : i32 to index
      %swap3A_307 = arith.constant 16 : index
      %swap3A_308 = tpu.vector_load %arg8[%swap3A_306, %swap3A_307] {strides = array<i32>} : memref<128x64xf32, #tpu.memory_space<vmem>>, vector<1x16xf32>,
      %swap3A_309 = vector.shape_cast %swap3A_308 : vector<1x16xf32> to vector<16xf32>
      %swap3A_310 = vector.shape_cast %scan3A_289#5 : vector<16xf32> to vector<1x16xf32>
      tpu.vector_store %arg8[%swap3A_306, %swap3A_307], %swap3A_310 {strides = array<i32>} : memref<128x64xf32, #tpu.memory_space<vmem>>, vector<1x16xf32>,
      %swap3A_311 = arith.index_cast %add3A_244 : i32 to index
      %swap3A_312 = arith.constant 32 : index
      %swap3A_313 = tpu.vector_load %arg7[%swap3A_311, %swap3A_312] {strides = array<i32>} : memref<128x64xf32, #tpu.memory_space<vmem>>, vector<1x16xf32>,
      %swap3A_314 = vector.shape_cast %swap3A_313 : vector<1x16xf32> to vector<16xf32>
      %swap3A_315 = vector.shape_cast %scan3A_289#2 : vector<16xf32> to vector<1x16xf32>
      tpu.vector_store %arg7[%swap3A_311, %swap3A_312], %swap3A_315 {strides = array<i32>} : memref<128x64xf32, #tpu.memory_space<vmem>>, vector<1x16xf32>,
      %swap3A_316 = arith.index_cast %add3A_244 : i32 to index
      %swap3A_317 = arith.constant 32 : index
      %swap3A_318 = tpu.vector_load %arg8[%swap3A_316, %swap3A_317] {strides = array<i32>} : memref<128x64xf32, #tpu.memory_space<vmem>>, vector<1x16xf32>,
      %swap3A_319 = vector.shape_cast %swap3A_318 : vector<1x16xf32> to vector<16xf32>
      %swap3A_320 = vector.shape_cast %scan3A_289#6 : vector<16xf32> to vector<1x16xf32>
      tpu.vector_store %arg8[%swap3A_316, %swap3A_317], %swap3A_320 {strides = array<i32>} : memref<128x64xf32, #tpu.memory_space<vmem>>, vector<1x16xf32>,
      %swap3A_321 = arith.index_cast %add3A_244 : i32 to index
      %swap3A_322 = arith.constant 48 : index
      %swap3A_323 = tpu.vector_load %arg7[%swap3A_321, %swap3A_322] {strides = array<i32>} : memref<128x64xf32, #tpu.memory_space<vmem>>, vector<1x16xf32>,
      %swap3A_324 = vector.shape_cast %swap3A_323 : vector<1x16xf32> to vector<16xf32>
      %swap3A_325 = vector.shape_cast %scan3A_289#3 : vector<16xf32> to vector<1x16xf32>
      tpu.vector_store %arg7[%swap3A_321, %swap3A_322], %swap3A_325 {strides = array<i32>} : memref<128x64xf32, #tpu.memory_space<vmem>>, vector<1x16xf32>,
      %swap3A_326 = arith.index_cast %add3A_244 : i32 to index
      %swap3A_327 = arith.constant 48 : index
      %swap3A_328 = tpu.vector_load %arg8[%swap3A_326, %swap3A_327] {strides = array<i32>} : memref<128x64xf32, #tpu.memory_space<vmem>>, vector<1x16xf32>,
      %swap3A_329 = vector.shape_cast %swap3A_328 : vector<1x16xf32> to vector<16xf32>
      %swap3A_330 = vector.shape_cast %scan3A_289#7 : vector<16xf32> to vector<1x16xf32>
      tpu.vector_store %arg8[%swap3A_326, %swap3A_327], %swap3A_330 {strides = array<i32>} : memref<128x64xf32, #tpu.memory_space<vmem>>, vector<1x16xf32>,
      %add3A_331 = arith.constant 3 : i32
      %add3A_332 = arith.addi %mul3A_73, %add3A_331 : i32
      %add3A_333 = arith.constant 4 : i32
      %add3A_334 = arith.addi %add3A_332, %add3A_333 : i32
      %sub3A_335 = arith.constant 1 : i32
      %sub3A_336 = arith.subi %add3A_334, %sub3A_335 : i32
      %lt3A_337 = arith.constant 128 : i32
      %lt3A_338 = arith.cmpi slt, %sub3A_336, %lt3A_337 : i32
      %convert_element_type3A_339 = arith.extui %lt3A_338 : i1 to i32
      %cond3A_340 = arith.constant 0 : i32
      %cond3A_341 = arith.cmpi ne, %convert_element_type3A_339, %cond3A_340 : i32
      scf.if %cond3A_341 {
        %add3A_419 = arith.constant 4 : i32
        %add3A_420 = arith.addi %add3A_332, %add3A_419 : i32
        %sub3A_421 = arith.constant 1 : i32
        %sub3A_422 = arith.subi %add3A_420, %sub3A_421 : i32
        %mul3A_423 = arith.constant 200 : i32
        %mul3A_424 = arith.muli %sub3A_422, %mul3A_423 : i32
        %dma_start3A_425 = arith.constant 2 : i32
        %dma_start3A_426 = arith.constant 0 : i32
        %dma_start3A_427 = arith.constant 0 : i32
        %dma_start3A_428 = tpu.memref_slice %arg6[%dma_start3A_425, %dma_start3A_426, %dma_start3A_427] : memref<4x200x64xf32, #tpu.memory_space<vmem>> -> memref<1x104x64xf32, #tpu.memory_space<vmem>>
        %dma_start3A_429 = tpu.memref_squeeze %dma_start3A_428 : memref<1x104x64xf32, #tpu.memory_space<vmem>> -> memref<104x64xf32, #tpu.memory_space<vmem>>
        %dma_start3A_430 = tpu.memref_slice %arg5[%mul3A_424] : memref<25600xi32, #tpu.memory_space<vmem>> -> memref<104xi32, #tpu.memory_space<vmem>>
        %dma_start3A_431 = arith.constant 0 : i32
        %dma_start3A_432 = arith.constant 0 : i32
        %dma_start3A_433 = tpu.memref_slice %arg3[%dma_start3A_431, %dma_start3A_432] : memref<100000x64xf32, #tpu.memory_space<hbm>> -> memref<100000x64xf32, #tpu.memory_space<hbm>>
        tpu.enqueue_indirect_dma source(%dma_start3A_433 : memref<100000x64xf32, #tpu.memory_space<hbm>>) target(%dma_start3A_429 : memref<104x64xf32, #tpu.memory_space<vmem>>) offsets(%dma_start3A_430 : memref<104xi32, #tpu.memory_space<vmem>>) semaphore(%arg11 : memref<!tpu.dma_semaphore, #tpu.memory_space<semaphore_mem>>)
        %mul3A_434 = arith.constant 200 : i32
        %mul3A_435 = arith.muli %sub3A_422, %mul3A_434 : i32
        %add3A_436 = arith.constant 104 : i32
        %add3A_437 = arith.addi %mul3A_435, %add3A_436 : i32
        %dma_start3A_438 = arith.constant 2 : i32
        %dma_start3A_439 = arith.constant 104 : i32
        %dma_start3A_440 = arith.constant 0 : i32
        %dma_start3A_441 = tpu.memref_slice %arg6[%dma_start3A_438, %dma_start3A_439, %dma_start3A_440] : memref<4x200x64xf32, #tpu.memory_space<vmem>> -> memref<1x96x64xf32, #tpu.memory_space<vmem>>
        %dma_start3A_442 = tpu.memref_squeeze %dma_start3A_441 : memref<1x96x64xf32, #tpu.memory_space<vmem>> -> memref<96x64xf32, #tpu.memory_space<vmem>>
        %dma_start3A_443 = tpu.memref_slice %arg5[%add3A_437] : memref<25600xi32, #tpu.memory_space<vmem>> -> memref<96xi32, #tpu.memory_space<vmem>>
        %dma_start3A_444 = arith.constant 0 : i32
        %dma_start3A_445 = arith.constant 0 : i32
        %dma_start3A_446 = tpu.memref_slice %arg3[%dma_start3A_444, %dma_start3A_445] : memref<100000x64xf32, #tpu.memory_space<hbm>> -> memref<100000x64xf32, #tpu.memory_space<hbm>>
        tpu.enqueue_indirect_dma source(%dma_start3A_446 : memref<100000x64xf32, #tpu.memory_space<hbm>>) target(%dma_start3A_442 : memref<96x64xf32, #tpu.memory_space<vmem>>) offsets(%dma_start3A_443 : memref<96xi32, #tpu.memory_space<vmem>>) semaphore(%arg11 : memref<!tpu.dma_semaphore, #tpu.memory_space<semaphore_mem>>)
      } else {
      }
      %dma_wait3A_342 = arith.constant 3 : i32
      %dma_wait3A_343 = arith.constant 0 : i32
      %dma_wait3A_344 = arith.constant 0 : i32
      %dma_wait3A_345 = tpu.memref_slice %arg6[%dma_wait3A_342, %dma_wait3A_343, %dma_wait3A_344] : memref<4x200x64xf32, #tpu.memory_space<vmem>> -> memref<1x200x64xf32, #tpu.memory_space<vmem>>
      %dma_wait3A_346 = tpu.memref_squeeze %dma_wait3A_345 : memref<1x200x64xf32, #tpu.memory_space<vmem>> -> memref<200x64xf32, #tpu.memory_space<vmem>>
      %dma_wait3A_347 = arith.constant 0 : i32
      %dma_wait3A_348 = arith.constant 0 : i32
      %dma_wait3A_349 = tpu.memref_slice %arg3[%dma_wait3A_347, %dma_wait3A_348] : memref<100000x64xf32, #tpu.memory_space<hbm>> -> memref<200x64xf32, #tpu.memory_space<hbm>>
      %dma_wait3A_350 = arith.constant 0 : i32
      %dma_wait3A_351 = arith.constant 0 : i32
      %dma_wait3A_352 = tpu.memref_slice %arg6[%dma_wait3A_342, %dma_wait3A_350, %dma_wait3A_351] : memref<4x200x64xf32, #tpu.memory_space<vmem>> -> memref<1x200x64xf32, #tpu.memory_space<vmem>>
      %dma_wait3A_353 = tpu.memref_squeeze %dma_wait3A_352 : memref<1x200x64xf32, #tpu.memory_space<vmem>> -> memref<200x64xf32, #tpu.memory_space<vmem>>
      %dma_wait3A_354 = arith.constant 0 : i32
      %dma_wait3A_355 = arith.constant 0 : i32
      %dma_wait3A_356 = tpu.memref_slice %arg3[%dma_wait3A_354, %dma_wait3A_355] : memref<100000x64xf32, #tpu.memory_space<hbm>> -> memref<200x64xf32, #tpu.memory_space<hbm>>
      tpu.wait_dma2 semaphore(%arg12 : memref<!tpu.dma_semaphore, #tpu.memory_space<semaphore_mem>>) src(%dma_wait3A_356 : memref<200x64xf32, #tpu.memory_space<hbm>>) dst(%dma_wait3A_353 : memref<200x64xf32, #tpu.memory_space<vmem>>)
      %broadcast_in_dim3A_357 = arith.constant 0.000000e+00 : f32
      %broadcast_in_dim3A_358 = vector.broadcast %broadcast_in_dim3A_357 : f32 to vector<16xf32>
      %broadcast_in_dim3A_359 = arith.constant 0.000000e+00 : f32
      %broadcast_in_dim3A_360 = vector.broadcast %broadcast_in_dim3A_359 : f32 to vector<16xf32>
      %broadcast_in_dim3A_361 = arith.constant 0.000000e+00 : f32
      %broadcast_in_dim3A_362 = vector.broadcast %broadcast_in_dim3A_361 : f32 to vector<16xf32>
      %broadcast_in_dim3A_363 = arith.constant 0.000000e+00 : f32
      %broadcast_in_dim3A_364 = vector.broadcast %broadcast_in_dim3A_363 : f32 to vector<16xf32>
      %broadcast_in_dim3A_365 = arith.constant 0xFF800000 : f32
      %broadcast_in_dim3A_366 = vector.broadcast %broadcast_in_dim3A_365 : f32 to vector<16xf32>
      %broadcast_in_dim3A_367 = arith.constant 0xFF800000 : f32
      %broadcast_in_dim3A_368 = vector.broadcast %broadcast_in_dim3A_367 : f32 to vector<16xf32>
      %broadcast_in_dim3A_369 = arith.constant 0xFF800000 : f32
      %broadcast_in_dim3A_370 = vector.broadcast %broadcast_in_dim3A_369 : f32 to vector<16xf32>
      %broadcast_in_dim3A_371 = arith.constant 0xFF800000 : f32
      %broadcast_in_dim3A_372 = vector.broadcast %broadcast_in_dim3A_371 : f32 to vector<16xf32>
      %scan3A_373 = arith.constant 0 : i32
      %scan3A_374 = arith.constant 200 : i32
      %scan3A_375 = arith.addi %scan3A_373, %scan3A_374 : i32
      %scan3A_376 = arith.constant 8 : i32
      %scan3A_377:8 = scf.for %scan3A_419 = %scan3A_373 to %scan3A_375 step %scan3A_376 iter_args(%scan3A_420 = %broadcast_in_dim3A_358, %scan3A_421 = %broadcast_in_dim3A_360, %scan3A_422 = %broadcast_in_dim3A_362, %scan3A_423 = %broadcast_in_dim3A_364, %scan3A_424 = %broadcast_in_dim3A_366, %scan3A_425 = %broadcast_in_dim3A_368, %scan3A_426 = %broadcast_in_dim3A_370, %scan3A_427 = %broadcast_in_dim3A_372) -> (vector<16xf32>, vector<16xf32>, vector<16xf32>, vector<16xf32>, vector<16xf32>, vector<16xf32>, vector<16xf32>, vector<16xf32>)  : i32 {
        %get3A = arith.constant 3 : i32
        %get3A_428 = arith.index_cast %get3A : i32 to index
        %get3A_429 = arith.index_cast %scan3A_419 : i32 to index
        %get3A_430 = arith.constant 0 : index
        %get3A_431 = tpu.vector_load %arg6[%get3A_428, %get3A_429, %get3A_430] {strides = array<i32>} : memref<4x200x64xf32, #tpu.memory_space<vmem>>, vector<1x1x16xf32>,
        %get3A_432 = vector.shape_cast %get3A_431 : vector<1x1x16xf32> to vector<16xf32>
        %add3A_433 = arith.addf %scan3A_420, %get3A_432 : vector<16xf32>
        %max3A = arith.maximumf %scan3A_424, %get3A_432 : vector<16xf32>
        %get3A_434 = arith.constant 3 : i32
        %get3A_435 = arith.index_cast %get3A_434 : i32 to index
        %get3A_436 = arith.index_cast %scan3A_419 : i32 to index
        %get3A_437 = arith.constant 16 : index
        %get3A_438 = tpu.vector_load %arg6[%get3A_435, %get3A_436, %get3A_437] {strides = array<i32>} : memref<4x200x64xf32, #tpu.memory_space<vmem>>, vector<1x1x16xf32>,
        %get3A_439 = vector.shape_cast %get3A_438 : vector<1x1x16xf32> to vector<16xf32>
        %add3A_440 = arith.addf %scan3A_421, %get3A_439 : vector<16xf32>
        %max3A_441 = arith.maximumf %scan3A_425, %get3A_439 : vector<16xf32>
        %get3A_442 = arith.constant 3 : i32
        %get3A_443 = arith.index_cast %get3A_442 : i32 to index
        %get3A_444 = arith.index_cast %scan3A_419 : i32 to index
        %get3A_445 = arith.constant 32 : index
        %get3A_446 = tpu.vector_load %arg6[%get3A_443, %get3A_444, %get3A_445] {strides = array<i32>} : memref<4x200x64xf32, #tpu.memory_space<vmem>>, vector<1x1x16xf32>,
        %get3A_447 = vector.shape_cast %get3A_446 : vector<1x1x16xf32> to vector<16xf32>
        %add3A_448 = arith.addf %scan3A_422, %get3A_447 : vector<16xf32>
        %max3A_449 = arith.maximumf %scan3A_426, %get3A_447 : vector<16xf32>
        %get3A_450 = arith.constant 3 : i32
        %get3A_451 = arith.index_cast %get3A_450 : i32 to index
        %get3A_452 = arith.index_cast %scan3A_419 : i32 to index
        %get3A_453 = arith.constant 48 : index
        %get3A_454 = tpu.vector_load %arg6[%get3A_451, %get3A_452, %get3A_453] {strides = array<i32>} : memref<4x200x64xf32, #tpu.memory_space<vmem>>, vector<1x1x16xf32>,
        %get3A_455 = vector.shape_cast %get3A_454 : vector<1x1x16xf32> to vector<16xf32>
        %add3A_456 = arith.addf %scan3A_423, %get3A_455 : vector<16xf32>
        %max3A_457 = arith.maximumf %scan3A_427, %get3A_455 : vector<16xf32>
        %scan3A_458 = arith.constant 1 : i32
        %scan3A_459 = arith.addi %scan3A_419, %scan3A_458 : i32
        %get3A_460 = arith.constant 3 : i32
        %get3A_461 = arith.index_cast %get3A_460 : i32 to index
        %get3A_462 = arith.index_cast %scan3A_459 : i32 to index
        %get3A_463 = arith.constant 0 : index
        %get3A_464 = tpu.vector_load %arg6[%get3A_461, %get3A_462, %get3A_463] {strides = array<i32>} : memref<4x200x64xf32, #tpu.memory_space<vmem>>, vector<1x1x16xf32>,
        %get3A_465 = vector.shape_cast %get3A_464 : vector<1x1x16xf32> to vector<16xf32>
        %add3A_466 = arith.addf %add3A_433, %get3A_465 : vector<16xf32>
        %max3A_467 = arith.maximumf %max3A, %get3A_465 : vector<16xf32>
        %get3A_468 = arith.constant 3 : i32
        %get3A_469 = arith.index_cast %get3A_468 : i32 to index
        %get3A_470 = arith.index_cast %scan3A_459 : i32 to index
        %get3A_471 = arith.constant 16 : index
        %get3A_472 = tpu.vector_load %arg6[%get3A_469, %get3A_470, %get3A_471] {strides = array<i32>} : memref<4x200x64xf32, #tpu.memory_space<vmem>>, vector<1x1x16xf32>,
        %get3A_473 = vector.shape_cast %get3A_472 : vector<1x1x16xf32> to vector<16xf32>
        %add3A_474 = arith.addf %add3A_440, %get3A_473 : vector<16xf32>
        %max3A_475 = arith.maximumf %max3A_441, %get3A_473 : vector<16xf32>
        %get3A_476 = arith.constant 3 : i32
        %get3A_477 = arith.index_cast %get3A_476 : i32 to index
        %get3A_478 = arith.index_cast %scan3A_459 : i32 to index
        %get3A_479 = arith.constant 32 : index
        %get3A_480 = tpu.vector_load %arg6[%get3A_477, %get3A_478, %get3A_479] {strides = array<i32>} : memref<4x200x64xf32, #tpu.memory_space<vmem>>, vector<1x1x16xf32>,
        %get3A_481 = vector.shape_cast %get3A_480 : vector<1x1x16xf32> to vector<16xf32>
        %add3A_482 = arith.addf %add3A_448, %get3A_481 : vector<16xf32>
        %max3A_483 = arith.maximumf %max3A_449, %get3A_481 : vector<16xf32>
        %get3A_484 = arith.constant 3 : i32
        %get3A_485 = arith.index_cast %get3A_484 : i32 to index
        %get3A_486 = arith.index_cast %scan3A_459 : i32 to index
        %get3A_487 = arith.constant 48 : index
        %get3A_488 = tpu.vector_load %arg6[%get3A_485, %get3A_486, %get3A_487] {strides = array<i32>} : memref<4x200x64xf32, #tpu.memory_space<vmem>>, vector<1x1x16xf32>,
        %get3A_489 = vector.shape_cast %get3A_488 : vector<1x1x16xf32> to vector<16xf32>
        %add3A_490 = arith.addf %add3A_456, %get3A_489 : vector<16xf32>
        %max3A_491 = arith.maximumf %max3A_457, %get3A_489 : vector<16xf32>
        %scan3A_492 = arith.constant 2 : i32
        %scan3A_493 = arith.addi %scan3A_419, %scan3A_492 : i32
        %get3A_494 = arith.constant 3 : i32
        %get3A_495 = arith.index_cast %get3A_494 : i32 to index
        %get3A_496 = arith.index_cast %scan3A_493 : i32 to index
        %get3A_497 = arith.constant 0 : index
        %get3A_498 = tpu.vector_load %arg6[%get3A_495, %get3A_496, %get3A_497] {strides = array<i32>} : memref<4x200x64xf32, #tpu.memory_space<vmem>>, vector<1x1x16xf32>,
        %get3A_499 = vector.shape_cast %get3A_498 : vector<1x1x16xf32> to vector<16xf32>
        %add3A_500 = arith.addf %add3A_466, %get3A_499 : vector<16xf32>
        %max3A_501 = arith.maximumf %max3A_467, %get3A_499 : vector<16xf32>
        %get3A_502 = arith.constant 3 : i32
        %get3A_503 = arith.index_cast %get3A_502 : i32 to index
        %get3A_504 = arith.index_cast %scan3A_493 : i32 to index
        %get3A_505 = arith.constant 16 : index
        %get3A_506 = tpu.vector_load %arg6[%get3A_503, %get3A_504, %get3A_505] {strides = array<i32>} : memref<4x200x64xf32, #tpu.memory_space<vmem>>, vector<1x1x16xf32>,
        %get3A_507 = vector.shape_cast %get3A_506 : vector<1x1x16xf32> to vector<16xf32>
        %add3A_508 = arith.addf %add3A_474, %get3A_507 : vector<16xf32>
        %max3A_509 = arith.maximumf %max3A_475, %get3A_507 : vector<16xf32>
        %get3A_510 = arith.constant 3 : i32
        %get3A_511 = arith.index_cast %get3A_510 : i32 to index
        %get3A_512 = arith.index_cast %scan3A_493 : i32 to index
        %get3A_513 = arith.constant 32 : index
        %get3A_514 = tpu.vector_load %arg6[%get3A_511, %get3A_512, %get3A_513] {strides = array<i32>} : memref<4x200x64xf32, #tpu.memory_space<vmem>>, vector<1x1x16xf32>,
        %get3A_515 = vector.shape_cast %get3A_514 : vector<1x1x16xf32> to vector<16xf32>
        %add3A_516 = arith.addf %add3A_482, %get3A_515 : vector<16xf32>
        %max3A_517 = arith.maximumf %max3A_483, %get3A_515 : vector<16xf32>
        %get3A_518 = arith.constant 3 : i32
        %get3A_519 = arith.index_cast %get3A_518 : i32 to index
        %get3A_520 = arith.index_cast %scan3A_493 : i32 to index
        %get3A_521 = arith.constant 48 : index
        %get3A_522 = tpu.vector_load %arg6[%get3A_519, %get3A_520, %get3A_521] {strides = array<i32>} : memref<4x200x64xf32, #tpu.memory_space<vmem>>, vector<1x1x16xf32>,
        %get3A_523 = vector.shape_cast %get3A_522 : vector<1x1x16xf32> to vector<16xf32>
        %add3A_524 = arith.addf %add3A_490, %get3A_523 : vector<16xf32>
        %max3A_525 = arith.maximumf %max3A_491, %get3A_523 : vector<16xf32>
        %scan3A_526 = arith.constant 3 : i32
        %scan3A_527 = arith.addi %scan3A_419, %scan3A_526 : i32
        %get3A_528 = arith.constant 3 : i32
        %get3A_529 = arith.index_cast %get3A_528 : i32 to index
        %get3A_530 = arith.index_cast %scan3A_527 : i32 to index
        %get3A_531 = arith.constant 0 : index
        %get3A_532 = tpu.vector_load %arg6[%get3A_529, %get3A_530, %get3A_531] {strides = array<i32>} : memref<4x200x64xf32, #tpu.memory_space<vmem>>, vector<1x1x16xf32>,
        %get3A_533 = vector.shape_cast %get3A_532 : vector<1x1x16xf32> to vector<16xf32>
        %add3A_534 = arith.addf %add3A_500, %get3A_533 : vector<16xf32>
        %max3A_535 = arith.maximumf %max3A_501, %get3A_533 : vector<16xf32>
        %get3A_536 = arith.constant 3 : i32
        %get3A_537 = arith.index_cast %get3A_536 : i32 to index
        %get3A_538 = arith.index_cast %scan3A_527 : i32 to index
        %get3A_539 = arith.constant 16 : index
        %get3A_540 = tpu.vector_load %arg6[%get3A_537, %get3A_538, %get3A_539] {strides = array<i32>} : memref<4x200x64xf32, #tpu.memory_space<vmem>>, vector<1x1x16xf32>,
        %get3A_541 = vector.shape_cast %get3A_540 : vector<1x1x16xf32> to vector<16xf32>
        %add3A_542 = arith.addf %add3A_508, %get3A_541 : vector<16xf32>
        %max3A_543 = arith.maximumf %max3A_509, %get3A_541 : vector<16xf32>
        %get3A_544 = arith.constant 3 : i32
        %get3A_545 = arith.index_cast %get3A_544 : i32 to index
        %get3A_546 = arith.index_cast %scan3A_527 : i32 to index
        %get3A_547 = arith.constant 32 : index
        %get3A_548 = tpu.vector_load %arg6[%get3A_545, %get3A_546, %get3A_547] {strides = array<i32>} : memref<4x200x64xf32, #tpu.memory_space<vmem>>, vector<1x1x16xf32>,
        %get3A_549 = vector.shape_cast %get3A_548 : vector<1x1x16xf32> to vector<16xf32>
        %add3A_550 = arith.addf %add3A_516, %get3A_549 : vector<16xf32>
        %max3A_551 = arith.maximumf %max3A_517, %get3A_549 : vector<16xf32>
        %get3A_552 = arith.constant 3 : i32
        %get3A_553 = arith.index_cast %get3A_552 : i32 to index
        %get3A_554 = arith.index_cast %scan3A_527 : i32 to index
        %get3A_555 = arith.constant 48 : index
        %get3A_556 = tpu.vector_load %arg6[%get3A_553, %get3A_554, %get3A_555] {strides = array<i32>} : memref<4x200x64xf32, #tpu.memory_space<vmem>>, vector<1x1x16xf32>,
        %get3A_557 = vector.shape_cast %get3A_556 : vector<1x1x16xf32> to vector<16xf32>
        %add3A_558 = arith.addf %add3A_524, %get3A_557 : vector<16xf32>
        %max3A_559 = arith.maximumf %max3A_525, %get3A_557 : vector<16xf32>
        %scan3A_560 = arith.constant 4 : i32
        %scan3A_561 = arith.addi %scan3A_419, %scan3A_560 : i32
        %get3A_562 = arith.constant 3 : i32
        %get3A_563 = arith.index_cast %get3A_562 : i32 to index
        %get3A_564 = arith.index_cast %scan3A_561 : i32 to index
        %get3A_565 = arith.constant 0 : index
        %get3A_566 = tpu.vector_load %arg6[%get3A_563, %get3A_564, %get3A_565] {strides = array<i32>} : memref<4x200x64xf32, #tpu.memory_space<vmem>>, vector<1x1x16xf32>,
        %get3A_567 = vector.shape_cast %get3A_566 : vector<1x1x16xf32> to vector<16xf32>
        %add3A_568 = arith.addf %add3A_534, %get3A_567 : vector<16xf32>
        %max3A_569 = arith.maximumf %max3A_535, %get3A_567 : vector<16xf32>
        %get3A_570 = arith.constant 3 : i32
        %get3A_571 = arith.index_cast %get3A_570 : i32 to index
        %get3A_572 = arith.index_cast %scan3A_561 : i32 to index
        %get3A_573 = arith.constant 16 : index
        %get3A_574 = tpu.vector_load %arg6[%get3A_571, %get3A_572, %get3A_573] {strides = array<i32>} : memref<4x200x64xf32, #tpu.memory_space<vmem>>, vector<1x1x16xf32>,
        %get3A_575 = vector.shape_cast %get3A_574 : vector<1x1x16xf32> to vector<16xf32>
        %add3A_576 = arith.addf %add3A_542, %get3A_575 : vector<16xf32>
        %max3A_577 = arith.maximumf %max3A_543, %get3A_575 : vector<16xf32>
        %get3A_578 = arith.constant 3 : i32
        %get3A_579 = arith.index_cast %get3A_578 : i32 to index
        %get3A_580 = arith.index_cast %scan3A_561 : i32 to index
        %get3A_581 = arith.constant 32 : index
        %get3A_582 = tpu.vector_load %arg6[%get3A_579, %get3A_580, %get3A_581] {strides = array<i32>} : memref<4x200x64xf32, #tpu.memory_space<vmem>>, vector<1x1x16xf32>,
        %get3A_583 = vector.shape_cast %get3A_582 : vector<1x1x16xf32> to vector<16xf32>
        %add3A_584 = arith.addf %add3A_550, %get3A_583 : vector<16xf32>
        %max3A_585 = arith.maximumf %max3A_551, %get3A_583 : vector<16xf32>
        %get3A_586 = arith.constant 3 : i32
        %get3A_587 = arith.index_cast %get3A_586 : i32 to index
        %get3A_588 = arith.index_cast %scan3A_561 : i32 to index
        %get3A_589 = arith.constant 48 : index
        %get3A_590 = tpu.vector_load %arg6[%get3A_587, %get3A_588, %get3A_589] {strides = array<i32>} : memref<4x200x64xf32, #tpu.memory_space<vmem>>, vector<1x1x16xf32>,
        %get3A_591 = vector.shape_cast %get3A_590 : vector<1x1x16xf32> to vector<16xf32>
        %add3A_592 = arith.addf %add3A_558, %get3A_591 : vector<16xf32>
        %max3A_593 = arith.maximumf %max3A_559, %get3A_591 : vector<16xf32>
        %scan3A_594 = arith.constant 5 : i32
        %scan3A_595 = arith.addi %scan3A_419, %scan3A_594 : i32
        %get3A_596 = arith.constant 3 : i32
        %get3A_597 = arith.index_cast %get3A_596 : i32 to index
        %get3A_598 = arith.index_cast %scan3A_595 : i32 to index
        %get3A_599 = arith.constant 0 : index
        %get3A_600 = tpu.vector_load %arg6[%get3A_597, %get3A_598, %get3A_599] {strides = array<i32>} : memref<4x200x64xf32, #tpu.memory_space<vmem>>, vector<1x1x16xf32>,
        %get3A_601 = vector.shape_cast %get3A_600 : vector<1x1x16xf32> to vector<16xf32>
        %add3A_602 = arith.addf %add3A_568, %get3A_601 : vector<16xf32>
        %max3A_603 = arith.maximumf %max3A_569, %get3A_601 : vector<16xf32>
        %get3A_604 = arith.constant 3 : i32
        %get3A_605 = arith.index_cast %get3A_604 : i32 to index
        %get3A_606 = arith.index_cast %scan3A_595 : i32 to index
        %get3A_607 = arith.constant 16 : index
        %get3A_608 = tpu.vector_load %arg6[%get3A_605, %get3A_606, %get3A_607] {strides = array<i32>} : memref<4x200x64xf32, #tpu.memory_space<vmem>>, vector<1x1x16xf32>,
        %get3A_609 = vector.shape_cast %get3A_608 : vector<1x1x16xf32> to vector<16xf32>
        %add3A_610 = arith.addf %add3A_576, %get3A_609 : vector<16xf32>
        %max3A_611 = arith.maximumf %max3A_577, %get3A_609 : vector<16xf32>
        %get3A_612 = arith.constant 3 : i32
        %get3A_613 = arith.index_cast %get3A_612 : i32 to index
        %get3A_614 = arith.index_cast %scan3A_595 : i32 to index
        %get3A_615 = arith.constant 32 : index
        %get3A_616 = tpu.vector_load %arg6[%get3A_613, %get3A_614, %get3A_615] {strides = array<i32>} : memref<4x200x64xf32, #tpu.memory_space<vmem>>, vector<1x1x16xf32>,
        %get3A_617 = vector.shape_cast %get3A_616 : vector<1x1x16xf32> to vector<16xf32>
        %add3A_618 = arith.addf %add3A_584, %get3A_617 : vector<16xf32>
        %max3A_619 = arith.maximumf %max3A_585, %get3A_617 : vector<16xf32>
        %get3A_620 = arith.constant 3 : i32
        %get3A_621 = arith.index_cast %get3A_620 : i32 to index
        %get3A_622 = arith.index_cast %scan3A_595 : i32 to index
        %get3A_623 = arith.constant 48 : index
        %get3A_624 = tpu.vector_load %arg6[%get3A_621, %get3A_622, %get3A_623] {strides = array<i32>} : memref<4x200x64xf32, #tpu.memory_space<vmem>>, vector<1x1x16xf32>,
        %get3A_625 = vector.shape_cast %get3A_624 : vector<1x1x16xf32> to vector<16xf32>
        %add3A_626 = arith.addf %add3A_592, %get3A_625 : vector<16xf32>
        %max3A_627 = arith.maximumf %max3A_593, %get3A_625 : vector<16xf32>
        %scan3A_628 = arith.constant 6 : i32
        %scan3A_629 = arith.addi %scan3A_419, %scan3A_628 : i32
        %get3A_630 = arith.constant 3 : i32
        %get3A_631 = arith.index_cast %get3A_630 : i32 to index
        %get3A_632 = arith.index_cast %scan3A_629 : i32 to index
        %get3A_633 = arith.constant 0 : index
        %get3A_634 = tpu.vector_load %arg6[%get3A_631, %get3A_632, %get3A_633] {strides = array<i32>} : memref<4x200x64xf32, #tpu.memory_space<vmem>>, vector<1x1x16xf32>,
        %get3A_635 = vector.shape_cast %get3A_634 : vector<1x1x16xf32> to vector<16xf32>
        %add3A_636 = arith.addf %add3A_602, %get3A_635 : vector<16xf32>
        %max3A_637 = arith.maximumf %max3A_603, %get3A_635 : vector<16xf32>
        %get3A_638 = arith.constant 3 : i32
        %get3A_639 = arith.index_cast %get3A_638 : i32 to index
        %get3A_640 = arith.index_cast %scan3A_629 : i32 to index
        %get3A_641 = arith.constant 16 : index
        %get3A_642 = tpu.vector_load %arg6[%get3A_639, %get3A_640, %get3A_641] {strides = array<i32>} : memref<4x200x64xf32, #tpu.memory_space<vmem>>, vector<1x1x16xf32>,
        %get3A_643 = vector.shape_cast %get3A_642 : vector<1x1x16xf32> to vector<16xf32>
        %add3A_644 = arith.addf %add3A_610, %get3A_643 : vector<16xf32>
        %max3A_645 = arith.maximumf %max3A_611, %get3A_643 : vector<16xf32>
        %get3A_646 = arith.constant 3 : i32
        %get3A_647 = arith.index_cast %get3A_646 : i32 to index
        %get3A_648 = arith.index_cast %scan3A_629 : i32 to index
        %get3A_649 = arith.constant 32 : index
        %get3A_650 = tpu.vector_load %arg6[%get3A_647, %get3A_648, %get3A_649] {strides = array<i32>} : memref<4x200x64xf32, #tpu.memory_space<vmem>>, vector<1x1x16xf32>,
        %get3A_651 = vector.shape_cast %get3A_650 : vector<1x1x16xf32> to vector<16xf32>
        %add3A_652 = arith.addf %add3A_618, %get3A_651 : vector<16xf32>
        %max3A_653 = arith.maximumf %max3A_619, %get3A_651 : vector<16xf32>
        %get3A_654 = arith.constant 3 : i32
        %get3A_655 = arith.index_cast %get3A_654 : i32 to index
        %get3A_656 = arith.index_cast %scan3A_629 : i32 to index
        %get3A_657 = arith.constant 48 : index
        %get3A_658 = tpu.vector_load %arg6[%get3A_655, %get3A_656, %get3A_657] {strides = array<i32>} : memref<4x200x64xf32, #tpu.memory_space<vmem>>, vector<1x1x16xf32>,
        %get3A_659 = vector.shape_cast %get3A_658 : vector<1x1x16xf32> to vector<16xf32>
        %add3A_660 = arith.addf %add3A_626, %get3A_659 : vector<16xf32>
        %max3A_661 = arith.maximumf %max3A_627, %get3A_659 : vector<16xf32>
        %scan3A_662 = arith.constant 7 : i32
        %scan3A_663 = arith.addi %scan3A_419, %scan3A_662 : i32
        %get3A_664 = arith.constant 3 : i32
        %get3A_665 = arith.index_cast %get3A_664 : i32 to index
        %get3A_666 = arith.index_cast %scan3A_663 : i32 to index
        %get3A_667 = arith.constant 0 : index
        %get3A_668 = tpu.vector_load %arg6[%get3A_665, %get3A_666, %get3A_667] {strides = array<i32>} : memref<4x200x64xf32, #tpu.memory_space<vmem>>, vector<1x1x16xf32>,
        %get3A_669 = vector.shape_cast %get3A_668 : vector<1x1x16xf32> to vector<16xf32>
        %add3A_670 = arith.addf %add3A_636, %get3A_669 : vector<16xf32>
        %max3A_671 = arith.maximumf %max3A_637, %get3A_669 : vector<16xf32>
        %get3A_672 = arith.constant 3 : i32
        %get3A_673 = arith.index_cast %get3A_672 : i32 to index
        %get3A_674 = arith.index_cast %scan3A_663 : i32 to index
        %get3A_675 = arith.constant 16 : index
        %get3A_676 = tpu.vector_load %arg6[%get3A_673, %get3A_674, %get3A_675] {strides = array<i32>} : memref<4x200x64xf32, #tpu.memory_space<vmem>>, vector<1x1x16xf32>,
        %get3A_677 = vector.shape_cast %get3A_676 : vector<1x1x16xf32> to vector<16xf32>
        %add3A_678 = arith.addf %add3A_644, %get3A_677 : vector<16xf32>
        %max3A_679 = arith.maximumf %max3A_645, %get3A_677 : vector<16xf32>
        %get3A_680 = arith.constant 3 : i32
        %get3A_681 = arith.index_cast %get3A_680 : i32 to index
        %get3A_682 = arith.index_cast %scan3A_663 : i32 to index
        %get3A_683 = arith.constant 32 : index
        %get3A_684 = tpu.vector_load %arg6[%get3A_681, %get3A_682, %get3A_683] {strides = array<i32>} : memref<4x200x64xf32, #tpu.memory_space<vmem>>, vector<1x1x16xf32>,
        %get3A_685 = vector.shape_cast %get3A_684 : vector<1x1x16xf32> to vector<16xf32>
        %add3A_686 = arith.addf %add3A_652, %get3A_685 : vector<16xf32>
        %max3A_687 = arith.maximumf %max3A_653, %get3A_685 : vector<16xf32>
        %get3A_688 = arith.constant 3 : i32
        %get3A_689 = arith.index_cast %get3A_688 : i32 to index
        %get3A_690 = arith.index_cast %scan3A_663 : i32 to index
        %get3A_691 = arith.constant 48 : index
        %get3A_692 = tpu.vector_load %arg6[%get3A_689, %get3A_690, %get3A_691] {strides = array<i32>} : memref<4x200x64xf32, #tpu.memory_space<vmem>>, vector<1x1x16xf32>,
        %get3A_693 = vector.shape_cast %get3A_692 : vector<1x1x16xf32> to vector<16xf32>
        %add3A_694 = arith.addf %add3A_660, %get3A_693 : vector<16xf32>
        %max3A_695 = arith.maximumf %max3A_661, %get3A_693 : vector<16xf32>
        scf.yield %add3A_670, %add3A_678, %add3A_686, %add3A_694, %max3A_671, %max3A_679, %max3A_687, %max3A_695 : vector<16xf32>, vector<16xf32>, vector<16xf32>, vector<16xf32>, vector<16xf32>, vector<16xf32>, vector<16xf32>, vector<16xf32>
      }
      %scan3A_378 = arith.constant 200 : i32
      %swap3A_379 = arith.index_cast %add3A_332 : i32 to index
      %swap3A_380 = arith.constant 0 : index
      %swap3A_381 = tpu.vector_load %arg7[%swap3A_379, %swap3A_380] {strides = array<i32>} : memref<128x64xf32, #tpu.memory_space<vmem>>, vector<1x16xf32>,
      %swap3A_382 = vector.shape_cast %swap3A_381 : vector<1x16xf32> to vector<16xf32>
      %swap3A_383 = vector.shape_cast %scan3A_377#0 : vector<16xf32> to vector<1x16xf32>
      tpu.vector_store %arg7[%swap3A_379, %swap3A_380], %swap3A_383 {strides = array<i32>} : memref<128x64xf32, #tpu.memory_space<vmem>>, vector<1x16xf32>,
      %swap3A_384 = arith.index_cast %add3A_332 : i32 to index
      %swap3A_385 = arith.constant 0 : index
      %swap3A_386 = tpu.vector_load %arg8[%swap3A_384, %swap3A_385] {strides = array<i32>} : memref<128x64xf32, #tpu.memory_space<vmem>>, vector<1x16xf32>,
      %swap3A_387 = vector.shape_cast %swap3A_386 : vector<1x16xf32> to vector<16xf32>
      %swap3A_388 = vector.shape_cast %scan3A_377#4 : vector<16xf32> to vector<1x16xf32>
      tpu.vector_store %arg8[%swap3A_384, %swap3A_385], %swap3A_388 {strides = array<i32>} : memref<128x64xf32, #tpu.memory_space<vmem>>, vector<1x16xf32>,
      %swap3A_389 = arith.index_cast %add3A_332 : i32 to index
      %swap3A_390 = arith.constant 16 : index
      %swap3A_391 = tpu.vector_load %arg7[%swap3A_389, %swap3A_390] {strides = array<i32>} : memref<128x64xf32, #tpu.memory_space<vmem>>, vector<1x16xf32>,
      %swap3A_392 = vector.shape_cast %swap3A_391 : vector<1x16xf32> to vector<16xf32>
      %swap3A_393 = vector.shape_cast %scan3A_377#1 : vector<16xf32> to vector<1x16xf32>
      tpu.vector_store %arg7[%swap3A_389, %swap3A_390], %swap3A_393 {strides = array<i32>} : memref<128x64xf32, #tpu.memory_space<vmem>>, vector<1x16xf32>,
      %swap3A_394 = arith.index_cast %add3A_332 : i32 to index
      %swap3A_395 = arith.constant 16 : index
      %swap3A_396 = tpu.vector_load %arg8[%swap3A_394, %swap3A_395] {strides = array<i32>} : memref<128x64xf32, #tpu.memory_space<vmem>>, vector<1x16xf32>,
      %swap3A_397 = vector.shape_cast %swap3A_396 : vector<1x16xf32> to vector<16xf32>
      %swap3A_398 = vector.shape_cast %scan3A_377#5 : vector<16xf32> to vector<1x16xf32>
      tpu.vector_store %arg8[%swap3A_394, %swap3A_395], %swap3A_398 {strides = array<i32>} : memref<128x64xf32, #tpu.memory_space<vmem>>, vector<1x16xf32>,
      %swap3A_399 = arith.index_cast %add3A_332 : i32 to index
      %swap3A_400 = arith.constant 32 : index
      %swap3A_401 = tpu.vector_load %arg7[%swap3A_399, %swap3A_400] {strides = array<i32>} : memref<128x64xf32, #tpu.memory_space<vmem>>, vector<1x16xf32>,
      %swap3A_402 = vector.shape_cast %swap3A_401 : vector<1x16xf32> to vector<16xf32>
      %swap3A_403 = vector.shape_cast %scan3A_377#2 : vector<16xf32> to vector<1x16xf32>
      tpu.vector_store %arg7[%swap3A_399, %swap3A_400], %swap3A_403 {strides = array<i32>} : memref<128x64xf32, #tpu.memory_space<vmem>>, vector<1x16xf32>,
      %swap3A_404 = arith.index_cast %add3A_332 : i32 to index
      %swap3A_405 = arith.constant 32 : index
      %swap3A_406 = tpu.vector_load %arg8[%swap3A_404, %swap3A_405] {strides = array<i32>} : memref<128x64xf32, #tpu.memory_space<vmem>>, vector<1x16xf32>,
      %swap3A_407 = vector.shape_cast %swap3A_406 : vector<1x16xf32> to vector<16xf32>
      %swap3A_408 = vector.shape_cast %scan3A_377#6 : vector<16xf32> to vector<1x16xf32>
      tpu.vector_store %arg8[%swap3A_404, %swap3A_405], %swap3A_408 {strides = array<i32>} : memref<128x64xf32, #tpu.memory_space<vmem>>, vector<1x16xf32>,
      %swap3A_409 = arith.index_cast %add3A_332 : i32 to index
      %swap3A_410 = arith.constant 48 : index
      %swap3A_411 = tpu.vector_load %arg7[%swap3A_409, %swap3A_410] {strides = array<i32>} : memref<128x64xf32, #tpu.memory_space<vmem>>, vector<1x16xf32>,
      %swap3A_412 = vector.shape_cast %swap3A_411 : vector<1x16xf32> to vector<16xf32>
      %swap3A_413 = vector.shape_cast %scan3A_377#3 : vector<16xf32> to vector<1x16xf32>
      tpu.vector_store %arg7[%swap3A_409, %swap3A_410], %swap3A_413 {strides = array<i32>} : memref<128x64xf32, #tpu.memory_space<vmem>>, vector<1x16xf32>,
      %swap3A_414 = arith.index_cast %add3A_332 : i32 to index
      %swap3A_415 = arith.constant 48 : index
      %swap3A_416 = tpu.vector_load %arg8[%swap3A_414, %swap3A_415] {strides = array<i32>} : memref<128x64xf32, #tpu.memory_space<vmem>>, vector<1x16xf32>,
      %swap3A_417 = vector.shape_cast %swap3A_416 : vector<1x16xf32> to vector<16xf32>
      %swap3A_418 = vector.shape_cast %scan3A_377#7 : vector<16xf32> to vector<1x16xf32>
      tpu.vector_store %arg8[%swap3A_414, %swap3A_415], %swap3A_418 {strides = array<i32>} : memref<128x64xf32, #tpu.memory_space<vmem>>, vector<1x16xf32>,
    }
    %scan3A_68 = arith.constant 32 : i32
    "tpu.region"() ({
      %run_scoped3A = tpu.sem_alloc : memref<!tpu.dma_semaphore, #tpu.memory_space<semaphore_mem>>
      %dma_start3A_71 = arith.constant 0 : i32
      %dma_start3A_72 = tpu.memref_slice %arg4[%mul3A_2, %dma_start3A_71] : memref<8192x64xf32, #tpu.memory_space<hbm>> -> memref<128x64xf32, #tpu.memory_space<hbm>>
      %dma_start3A_73 = arith.constant 0 : i32
      %dma_start3A_74 = tpu.memref_slice %arg4[%mul3A_2, %dma_start3A_73] : memref<8192x64xf32, #tpu.memory_space<hbm>> -> memref<128x64xf32, #tpu.memory_space<hbm>>
      tpu.enqueue_dma source(%arg7 : memref<128x64xf32, #tpu.memory_space<vmem>>) target(%dma_start3A_74 : memref<128x64xf32, #tpu.memory_space<hbm>>) target_semaphore(%run_scoped3A : memref<!tpu.dma_semaphore, #tpu.memory_space<semaphore_mem>>)
      %dma_wait3A = arith.constant 0 : i32
      %dma_wait3A_75 = tpu.memref_slice %arg4[%mul3A_2, %dma_wait3A] : memref<8192x64xf32, #tpu.memory_space<hbm>> -> memref<128x64xf32, #tpu.memory_space<hbm>>
      %dma_wait3A_76 = arith.constant 0 : i32
      %dma_wait3A_77 = tpu.memref_slice %arg4[%mul3A_2, %dma_wait3A_76] : memref<8192x64xf32, #tpu.memory_space<hbm>> -> memref<128x64xf32, #tpu.memory_space<hbm>>
      tpu.wait_dma2 semaphore(%run_scoped3A : memref<!tpu.dma_semaphore, #tpu.memory_space<semaphore_mem>>) src(%arg7 : memref<128x64xf32, #tpu.memory_space<vmem>>) dst(%dma_wait3A_77 : memref<128x64xf32, #tpu.memory_space<hbm>>)
      tpu.yield
    }) : () -> ()
    %add3A_69 = arith.constant 4096 : i32
    %add3A_70 = arith.addi %add3A_69, %mul3A_2 : i32
    "tpu.region"() ({
      %run_scoped3A = tpu.sem_alloc : memref<!tpu.dma_semaphore, #tpu.memory_space<semaphore_mem>>
      %dma_start3A_71 = arith.constant 0 : i32
      %dma_start3A_72 = tpu.memref_slice %arg4[%add3A_70, %dma_start3A_71] : memref<8192x64xf32, #tpu.memory_space<hbm>> -> memref<128x64xf32, #tpu.memory_space<hbm>>
      %dma_start3A_73 = arith.constant 0 : i32
      %dma_start3A_74 = tpu.memref_slice %arg4[%add3A_70, %dma_start3A_73] : memref<8192x64xf32, #tpu.memory_space<hbm>> -> memref<128x64xf32, #tpu.memory_space<hbm>>
      tpu.enqueue_dma source(%arg8 : memref<128x64xf32, #tpu.memory_space<vmem>>) target(%dma_start3A_74 : memref<128x64xf32, #tpu.memory_space<hbm>>) target_semaphore(%run_scoped3A : memref<!tpu.dma_semaphore, #tpu.memory_space<semaphore_mem>>)
      %dma_wait3A = arith.constant 0 : i32
      %dma_wait3A_75 = tpu.memref_slice %arg4[%add3A_70, %dma_wait3A] : memref<8192x64xf32, #tpu.memory_space<hbm>> -> memref<128x64xf32, #tpu.memory_space<hbm>>
      %dma_wait3A_76 = arith.constant 0 : i32
      %dma_wait3A_77 = tpu.memref_slice %arg4[%add3A_70, %dma_wait3A_76] : memref<8192x64xf32, #tpu.memory_space<hbm>> -> memref<128x64xf32, #tpu.memory_space<hbm>>
      tpu.wait_dma2 semaphore(%run_scoped3A : memref<!tpu.dma_semaphore, #tpu.memory_space<semaphore_mem>>) src(%arg8 : memref<128x64xf32, #tpu.memory_space<vmem>>) dst(%dma_wait3A_77 : memref<128x64xf32, #tpu.memory_space<hbm>>)
      tpu.yield
    }) : () -> ()
    return
  }
}

module attributes {stable_mosaic.version = 14 : i64} {
  func.func @_proj_body(%arg0: memref<8192x64xf32, #tpu.memory_space<vmem>>, %arg1: memref<4096x1xf32, #tpu.memory_space<vmem>>, %arg2: memref<32x64xf32, #tpu.memory_space<vmem>>, %arg3: memref<1x32xf32, #tpu.memory_space<vmem>>, %arg4: memref<8192x32xf32, #tpu.memory_space<vmem>>) attributes {dimension_semantics = [], scalar_prefetch = 0 : i64, scratch_operands = 0 : i64, tpu.core_type = #tpu.core_type<tc>} {
    %get3A = arith.constant 0 : index
    %get3A_0 = arith.constant 0 : index
    %get3A_1 = vector.load %arg0[%get3A, %get3A_0] : memref<8192x64xf32, #tpu.memory_space<vmem>>, vector<8192x64xf32>
    %slice3A = vector.extract_strided_slice %get3A_1 {offsets = [0, 0], sizes = [4096, 64], strides = [1, 1]} : vector<8192x64xf32> to vector<4096x64xf32>
    %get3A_2 = arith.constant 0 : index
    %get3A_3 = arith.constant 0 : index
    %get3A_4 = vector.load %arg1[%get3A_2, %get3A_3] : memref<4096x1xf32, #tpu.memory_space<vmem>>, vector<4096x1xf32>
    %div3A = vector.broadcast %get3A_4 : vector<4096x1xf32> to vector<4096x64xf32>
    %div3A_5 = arith.divf %slice3A, %div3A : vector<4096x64xf32>
    %slice3A_6 = vector.extract_strided_slice %get3A_1 {offsets = [4096, 0], sizes = [4096, 64], strides = [1, 1]} : vector<8192x64xf32> to vector<4096x64xf32>
    %concatenate3A = tpu.concatenate %div3A_5, %slice3A_6 in 0 : vector<4096x64xf32>, vector<4096x64xf32> -> vector<8192x64xf32>
    %get3A_7 = arith.constant 0 : index
    %get3A_8 = arith.constant 0 : index
    %get3A_9 = vector.load %arg2[%get3A_7, %get3A_8] : memref<32x64xf32, #tpu.memory_space<vmem>>, vector<32x64xf32>
    %dot_general3A = arith.constant dense<0.000000e+00> : vector<8192x32xf32>
    %dot_general3A_10 = tpu.matmul %concatenate3A, %get3A_9, %dot_general3A {dimension_numbers = #tpu.dot_dimension_numbers<[1], [1], [0], [0], [0, 0, 1, 0], [], []>, transpose_lhs_hint = false} : vector<8192x64xf32>, vector<32x64xf32>, vector<8192x32xf32> -> vector<8192x32xf32>
    %get3A_11 = arith.constant 0 : index
    %get3A_12 = arith.constant 0 : index
    %get3A_13 = vector.load %arg3[%get3A_11, %get3A_12] : memref<1x32xf32, #tpu.memory_space<vmem>>, vector<1x32xf32>
    %add3A = vector.broadcast %get3A_13 : vector<1x32xf32> to vector<8192x32xf32>
    %add3A_14 = arith.addf %dot_general3A_10, %add3A : vector<8192x32xf32>
    %swap3A = arith.constant 0 : index
    %swap3A_15 = arith.constant 0 : index
    %swap3A_16 = vector.load %arg4[%swap3A, %swap3A_15] : memref<8192x32xf32, #tpu.memory_space<vmem>>, vector<8192x32xf32>
    tpu.vector_store %arg4[%swap3A, %swap3A_15], %add3A_14 {strides = array<i32>} : memref<8192x32xf32, #tpu.memory_space<vmem>>, vector<8192x32xf32>,
    return
  }
}

</mosaic_0001>

<sc_bundles>
// kernel: kernel.4.cloned.1.call-start
scs
__scs_entry_jumppad:
0x0: {  	(pc) =	sbr.rel $0x88, $3  }
0x1: {  	(tag) =	ssettag $0x0;
	lr =	simm.s32 $0x1  }
0x2: {  	[smem:$0x3F9C] =	sst lr;
	_ =	strace $0xD0000000  }
0x3: {  	_ = 	snop  }
0x4: {  	_ = 	snop  }
0x5: {  	_ = 	snop  }
0x6: {  	_ = 	snop  }
0x7: {  	_ = 	snop  }
__scs_overlays_trampoline_lowered:
0x8: {  	[smem:$0x3FAB] =	sst s0  }
0x9: {  	[smem:$0x3FAC] =	sst s1  }
0xa: {  	[smem:$0x3FAD] =	sst s2  }
0xb: {  	[smem:$0x3FAE] =	sst s3  }
0xc: {  	[smem:$0x3FAF] =	sst s4  }
0xd: {  	[smem:$0x3FB0] =	sst s5  }
0xe: {  	[smem:$0x3FB1] =	sst s6  }
0xf: {  	[smem:$0x3FB2] =	sst s7  }
0x10: {  	[smem:$0x3FB3] =	sst s8  }
0x11: {  	[smem:$0x3FB4] =	sst s9;
	s0 =	simm.s32 @!p0 $0x0  }
0x12: {  	s1 =	sld [smem:$0x3F9A];
	s0 =	simm.s32 @p0 $0x1  }
0x13: {  	[smem:$0x3FB5] =	sst s0;
	s0 =	simm.s32 @!p1 $0x0  }
0x14: {  	s2 =	sld [smem:$0x3F99];
	s0 =	simm.s32 @p1 $0x1  }
0x15: {  	[smem:$0x3FB6] =	sst s0;
	s0 =	simm.s32 @!p2 $0x0  }
0x16: {  	s3 =	sld [smem:$0x3FDB];
	s0 =	simm.s32 @p2 $0x1  }
0x17: {  	s4 =	simm.s32 $0x1BF5;
	[smem:$0x3FB8] =	sst s0  }
0x18: {  	s0 =	sld [smem:$0x3F9B];
	_ =	swait.ge [sflag:s4], $0x0  }
0x19: {  	s7 =	sld [smem:$0x3F9C]  }
0x1a: {  	s8 =	sadd.s32 $0xFFFFE003, lr  }
0x1b: {  	s9 =	sadd.s32 $0xFFFFFEF7, lr;
	s5 =	simm.s32 $0xFFFFFFFF;
	p2 =	slt.u32 s8, $0xFFFFF086  }
0x1c: {  	p1 =	slt.u32 s9, $0xF7A;
	s5 =	simm.s32 @!p2 $0x0  }
0x1d: {  	s5 =	simm.s32 @p1 $0x1;
	p0 =	seq.s32 s7, s2  }
0x1e: {  	s7 =	smul.u32 @!p0 $0xF7A, s2;
	p2 =	seq.s32 @!p0 s5, $0x0  }
0x1f: {  	s9 =	smul.u32 $0xF7A, s1;
	s8 =	simm.s32 @!p0 $0x1BF5;
	p2 =	por !p2, p0  }
0x20: {  	[sflag:s8] =	ssyncset.s32 @!p0 $0xFFFFF086;
	s6 =	sadd.s32 @!p0 s3, s7;
	s7 =	simm.s32 @!p0 $0x108  }
0x21: {  	s3 =	sadd.s32 s3, s9;
	s6 =	sadd.s32 @!p0 $0x88, s6;
	s7 =	simm.s32 @p2 $0x1082  }
0x22: {  	[simem:s7], [sflag:s8] =	dma.local @!p0 [hbm:s6], $0xF7A  }
0x23: {  	s9 =	sor.u32 $0xD0000000, s2;
	s6 =	simm.s32 $0x108;
	_ =	swait.ge @!p0 [sflag:s8], $0x0  }
0x24: {  	s3 =	sadd.s32 $0x88, s3;
	s6 =	simm.s32 @!p1 $0x1082;
	[sflag:s4] =	ssyncset.s32 $0xFFFFF086  }
0x25: {  	[simem:s6], [sflag:s4] =	dma.local [hbm:s3], $0xF7A  }
0x26: {  	[smem:$0x3F9C] =	sst s1;
	(tag) =	ssettag s2;
	_ =	strace s9  }
0x27: {  	s1 =	sld [smem:$0x3FAC]  }
0x28: {  	s2 =	sld [smem:$0x3FAD]  }
0x29: {  	s4 =	sld [smem:$0x3FAF]  }
0x2a: {  	p0 =	seq.s32 s5, $0x0;
	s5 =	sld [smem:$0x3FB0]  }
0x2b: {  	s6 =	sld [smem:$0x3FB1]  }
0x2c: {  	s7 =	sld [smem:$0x3FB2]  }
0x2d: {  	s3 =	simm.s32 $0x108;
	s8 =	sld [smem:$0x3FB3]  }
0x2e: {  	s3 =	simm.s32 @!p0 $0x1082;
	s9 =	sld [smem:$0x3FB4]  }
0x2f: {  	lr =	sadd.s32 s0, s3;
	s0 =	sld [smem:$0x3FAB]  }
0x30: {  	s3 =	sld [smem:$0x3FAE]  }
0x31: {  	[smem:$0x3FB7] =	sst s10  }
0x32: {  	s10 =	sld [smem:$0x3FB5];
	_ =	sdelay $0x3  }
0x33: {  	p0 =	seq.s32 s10, $0x1;
	s10 =	sld [smem:$0x3FB7];
	_ =	sdelay $0x3  }
0x34: {  	[smem:$0x3FB7] =	sst s10  }
0x35: {  	s10 =	sld [smem:$0x3FB6];
	_ =	sdelay $0x3  }
0x36: {  	p1 =	seq.s32 s10, $0x1;
	s10 =	sld [smem:$0x3FB7];
	_ =	sdelay $0x3  }
0x37: {  	[smem:$0x3FB7] =	sst s10  }
0x38: {  	s10 =	sld [smem:$0x3FB8]  }
0x39: {  	_ = 	snop;
	(pc) =	sbr.ind lr, $3  }
0x3a: {  	_ = 	snop  }
0x3b: {  	_ = 	snop  }
0x3c: {  	p2 =	seq.s32 s10, $0x1;
	s10 =	sld [smem:$0x3FB7]  }
0x3d: {  	_ =	shalt  }
0x3e: {  	_ =	shalt  }
0x3f: {  	_ =	shalt  }
0x40: {  	_ =	shalt  }
0x41: {  	_ =	shalt  }
0x42: {  	_ =	shalt  }
0x43: {  	_ =	shalt  }
0x44: {  	_ =	shalt  }
0x45: {  	_ =	shalt  }
0x46: {  	_ =	shalt  }
0x47: {  	_ =	shalt  }
0x48: {  	_ =	shalt  }
0x49: {  	_ =	shalt  }
0x4a: {  	_ =	shalt  }
0x4b: {  	_ =	shalt  }
0x4c: {  	_ =	shalt  }
0x4d: {  	_ =	shalt  }
0x4e: {  	_ =	shalt  }
0x4f: {  	_ =	shalt  }
0x50: {  	_ =	shalt  }
0x51: {  	_ =	shalt  }
0x52: {  	_ =	shalt  }
0x53: {  	_ =	shalt  }
0x54: {  	_ =	shalt  }
0x55: {  	_ =	shalt  }
0x56: {  	_ =	shalt  }
0x57: {  	_ =	shalt  }
0x58: {  	_ =	shalt  }
0x59: {  	_ =	shalt  }
0x5a: {  	_ =	shalt  }
0x5b: {  	_ =	shalt  }
0x5c: {  	_ =	shalt  }
0x5d: {  	_ =	shalt  }
0x5e: {  	_ =	shalt  }
0x5f: {  	_ =	shalt  }
0x60: {  	_ =	shalt  }
0x61: {  	_ =	shalt  }
0x62: {  	_ =	shalt  }
0x63: {  	_ =	shalt  }
0x64: {  	_ =	shalt  }
0x65: {  	_ =	shalt  }
0x66: {  	_ =	shalt  }
0x67: {  	_ =	shalt  }
0x68: {  	_ =	shalt  }
0x69: {  	_ =	shalt  }
0x6a: {  	_ =	shalt  }
0x6b: {  	_ =	shalt  }
0x6c: {  	_ =	shalt  }
0x6d: {  	_ =	shalt  }
0x6e: {  	_ =	shalt  }
0x6f: {  	_ =	shalt  }
0x70: {  	_ =	shalt  }
0x71: {  	_ =	shalt  }
0x72: {  	_ =	shalt  }
0x73: {  	_ =	shalt  }
0x74: {  	_ =	shalt  }
0x75: {  	_ =	shalt  }
0x76: {  	_ =	shalt  }
0x77: {  	_ =	shalt  }
0x78: {  	_ =	shalt  }
0x79: {  	_ =	shalt  }
0x7a: {  	_ =	shalt  }
0x7b: {  	_ =	shalt  }
0x7c: {  	_ =	shalt  }
0x7d: {  	_ =	shalt  }
0x7e: {  	_ =	shalt  }
0x7f: {  	_ =	shalt  }
0x80: {  	_ =	shalt  }
0x81: {  	_ =	shalt  }
0x82: {  	_ =	shalt  }
0x83: {  	_ =	shalt  }
0x84: {  	_ =	shalt  }
0x85: {  	_ =	shalt  }
0x86: {  	_ =	shalt  }
0x87: {  	_ =	shalt  }
.Lfunc_end0:
.L_simem_size_0:
called_computation_lowered:
.L_overlay_start_0:
0x88: {  	s2 =	sld [smem:$0x3FD9]  }
0x89: {  	s3 =	sld [smem:$0x3FFE];
	_ =	sdelay $0x1  }
0x8a: {  	s1 =	srdreg.scid  }
0x8b: {  	s0 =	sand.u32 $0x1, s1  }
0x8c: {  	s16 =	sshll.u32 s0, $0xA;
	s2 =	sadd.s32 s3, s2  }
0x8d: {  	s2 =	sadd.s32 s2, s16  }
0x8e: {  	[smem:$0x3FC3] =	sst s2  }
0x8f: {  	_ = 	snop  }
0x90: {  	(tm) =	ssettm $0x1  }
0x91: {  	s17 =	sld [smem:$0x3FFB];
	_ =	sdelay $0x3  }
0x92: {  	_ =	strace s17  }
0x93: {  	s2 =	sld [smem:$0x3FFC];
	_ =	sdelay $0x3  }
0x94: {  	_ =	strace s2  }
0x95: {  	s2 =	sld [smem:$0x3FFD];
	_ =	sdelay $0x3  }
0x96: {  	_ =	strace s2  }
0x97: {  	_ =	strace $0x8FFFFFFF  }
0x98: {  	s18 =	sld [smem:$0x3FDB];
	_ =	sdelay $0x1  }
0x99: {  	s19 =	simm.s32 $_scs_section_size  }
0x9a: {  	s4 =	simm.s32 $_size__tile_overlayer_lowered;
	s5 =	simm.s32 $_tile_overlayer_lowered  }
0x9b: {  	s22 =	simm.s32 $0x1BFF;
	s21 =	sshll.u32 s5, $0x1;
	s2 =	sadd.s32 s19, s18  }
0x9c: {  	s6 =	simm.s32 $0x0;
	s20 =	sshll.u32 s4, $0x1;
	s4 =	sadd.s32 s21, s2  }
0x9d: {  	[timem:s6], [sflag:s22] =	dma.local [hbm:s4], s20  }
0x9e: {  	_ =	swait.ge [sflag:s22], s20  }
0x9f: {  	s3 =	ssub.s32 $0x0, s20;
	[sflag:s22] =	ssyncset.done $0x0  }
0xa0: {  	[sflag:s22] =	ssyncadd.s32 s3;
	_ =	sdelay $0x1  }
0xa1: {  	s23 =	simm.s32 $0x1B8B  }
0xa2: {  	_ =	swait.ge [sflag:s23], $0x1  }
0xa3: {  	[sflag:s23] =	ssyncset.done $0x0  }
0xa4: {  	s25 =	simm.s32 $0x1B8E;
	s24 =	sld [smem:$0x3FFE];
	[sflag:s23] =	ssyncadd.s32 $0xFFFFFFFF  }
0xa5: {  	s26 =	simm.s32 $execute0_lowered;
	[smem:$0x3FD2] =	sst s25  }
0xa6: {  	s4 =	sshll.u32 s26, $0x1;
	_ =	strace $0x80000046;
	[dreg:$0x1] =	wrdreg $0xFFFFFFFF  }
0xa7: {  	s28 =	simm.s32 $_size_execute0_lowered;
	s2 =	sadd.s32 s2, s4;
	[dreg:$0x0] =	wrdreg $0x0  }
0xa8: {  	s4 =	sshll.u32 s28, $0x1;
	[dreg:$0x2] =	wrdreg s2  }
0xa9: {  	[dreg:$0x3] =	wrdreg s4  }
0xaa: {  	[dreg:$0x4] =	wrdreg $0xC0  }
0xab: {  	_ =	task [dreg:s6], $0x5FFFF  }
0xac: {  	[dreg:$0x1] =	wrdreg $0xFFFFFFFF  }
0xad: {  	[dreg:$0x0] =	wrdreg $0x60  }
0xae: {  	[dreg:$0x2] =	wrdreg s24  }
0xaf: {  	[dreg:$0x3] =	wrdreg $0x9  }
0xb0: {  	_ =	task.clear_ibuf [dreg:s6], $0x4FFFF;
	_ =	strace $0x90000046  }
0xb1: {  	s29 =	simm.s32 $0x9;
	_ =	strace $0x80000048  }
0xb2: {  	_ =	swait.ge [sflag:s29], $0x1  }
0xb3: {  	[sflag:s29] =	ssyncadd.s32 $0xFFFFFFFF  }
0xb4: {  	_ =	strace $0x90000048  }
0xb5: {  	_ =	sfence  }
0xb6: {  	s30 =	sld [smem:$0x0];
	_ =	sdelay $0x2  }
0xb7: {  	s31 =	sshll.u32 s1, $0xD;
	s1 =	sshrl.u32 s1, $0x2  }
0xb8: {  	s3 =	sand.u32 $0x4000, s31;
	s1 =	sadd.s32 s1, s30  }
0xb9: {  	s0 =	sor.u32 s3, s0;
	s1 =	sshll.u32 s1, $0x11  }
0xba: {  	s0 =	sor.u32 s1, s0  }
0xbb: {  	s0 =	sadd.s32 $0x8F2B, s0  }
0xbc: {  	[sflag:s0] =	ssyncadd.remote.s32 $0x1  }
0xbd: {  	_ =	sfence.sel $0xFFFF  }
0xbe: {  	[dreg:$0x0] =	wrdreg $0xFFFFFFFF;
	(pc) =	sbr.abs _section_cstart, $3  }
0xbf: {  	[dreg:$0x1] =	wrdreg $0xFFFFFFFF  }
0xc0: {  	_ =	task.clear_ibuf [dreg:s6], $0x2FFFF;
	_ =	strace $0x9FFFFFFF  }
0xc1: {  	(tm) =	ssettm $0x7FFFFFFF  }
tec
execute0_lowered:
.L_overlay_start_1:
0x0: {  	(tag) =	ssettag $0x1  }
0x1: {  	s0 =	srdreg.scid  }
0x2: {  	s2 =	stileid.u32;
	s1 =	rddreg [dreg:$0x0]  }
0x3: {  	s8 =	simm.s32 $0x5;
	s9 =	simm.s32 $0x68;
	s11 =	simm.s32 $0x60  }
0x4: {  	s15 =	simm.s32 $0x130;
	s16 =	simm.s32 $0xB000;
	s17 =	simm.s32 $0x190  }
0x5: {  	s18 =	simm.s32 $0xC800;
	s19 =	simm.s32 $0x1F8;
	s20 =	simm.s32 $0xE200  }
0x6: {  	s21 =	simm.s32 $0xFA00;
	s22 =	simm.s32 $0x11400;
	s23 =	simm.s32 $0x1  }
0x7: {  	s24 =	simm.s32 $0x2;
	s25 =	simm.s32 $0x3;
	s26 =	simm.s32 $0x4  }
0x8: {  	s28 =	simm.s32 $0x12C00;
	s29 =	simm.s32 $0x14C00;
	s30 =	simm.s32 $0x0  }
0x9: {  	s0 =	sand.u32 $0x1, s0;
	s3 =	sshll.u32 s2, $0x1;
	s2 =	simm.s32 $0x0  }
0xa: {  	s3 =	sor.u32 s0, s3;
	[smem:$0x7FF] =	sst s2;
	s0 =	ssub.s32 $0x2, s0  }
0xb: {  	s4 =	smul.u32 $0xC80, s3;
	_ =	strace $0x80000047;
	s31 =	sshrl.u32 s0, $0x1  }
0xc: {  	s5 =	sshll.u32 s3, $0xA;
	s3 =	sadd.s32 $0x187600, s1;
	s0 =	ssub.s32 s0, s31  }
0xd: {  	s4 =	sadd.s32 s4, s1;
	s1 =	sadd.s32 s5, s1;
	s7 =	smax.u32 s0, $0x1  }
0xe: {  	s4 =	sadd.s32 $0xC00, s4;
	s5 =	sadd.s32 $0x19C00, s1;
	s6 =	sadd.s32 $0x21C00, s1  }
.LBB2_1:
0xf: {  	[tilespmem:s2], [sflag:$0x5] =	stream.linear.gather [hbm4b:s4+s2], $0x6400, $0x38;
	[tilespmem:$0x16C00] =	vst v63  }
0x10: {  	_ =	swait.ge [sflag:s8], $0x6400  }
0x11: {  	[sflag:s8] =	ssyncset.done $0x0  }
0x12: {  	s0 =	simm.s32 $0x6400;
	[sflag:s8] =	ssyncadd.s32 $0xFFFF9C00  }
0x13: {  	[tilespmem:s0], [sflag:$0x1] =	stream.indirect.gather [hbm4b:s3+s9], $0x40, s2, s9, $0xb8;
	[tilespmem:$0x16C00] =	vst v63  }
0x14: {  	s13 =	simm.s32 $0x7E00  }
0x15: {  	[tilespmem:s13], [sflag:$0x1] =	stream.indirect.gather [hbm4b:s3+s11], $0x40, s9, s11, $0xb8;
	[tilespmem:$0x16C00] =	vst v63  }
0x16: {  	s14 =	simm.s32 $0xC8;
	s1 =	simm.s32 $0x9600  }
0x17: {  	[tilespmem:s1], [sflag:$0x2] =	stream.indirect.gather [hbm4b:s3+s9], $0x40, s14, s9, $0xb8;
	[tilespmem:$0x16C00] =	vst v63  }
0x18: {  	_ = 	snop  }
0x19: {  	[tilespmem:s16], [sflag:$0x2] =	stream.indirect.gather [hbm4b:s3+s11], $0x40, s15, s11, $0xb8;
	[tilespmem:$0x16C00] =	vst v63  }
0x1a: {  	_ = 	snop  }
0x1b: {  	[tilespmem:s18], [sflag:$0x3] =	stream.indirect.gather [hbm4b:s3+s9], $0x40, s17, s9, $0xb8;
	[tilespmem:$0x16C00] =	vst v63  }
0x1c: {  	s31 =	simm.s32 $0x0  }
0x1d: {  	[tilespmem:s20], [sflag:$0x3] =	stream.indirect.gather [hbm4b:s3+s11], $0x40, s19, s11, $0xb8;
	[tilespmem:$0x16C00] =	vst v63  }
.LBB2_2:
0x1e: {  	s1 =	sshllo.u32 s31, $0x2  }
0x1f: {  	s0 =	smul.u32 $0x320, s1;
	_ =	sdelay $0x1  }
0x20: {  	s0 =	sshra.s32 s0, $0x2  }
0x21: {  	[tilespmem:s21], [sflag:$0x4] =	stream.indirect.gather [hbm4b:s3+s9], $0x40, s0, s9, $0xb8;
	[tilespmem:$0x16C00] =	vst v63  }
0x22: {  	s0 =	sadd.s32 $0x68, s0  }
0x23: {  	[tilespmem:s22], [sflag:$0x4] =	stream.indirect.gather [hbm4b:s3+s11], $0x40, s0, s11, $0xb8;
	[tilespmem:$0x16C00] =	vst v63  }
0x24: {  	_ =	swait.ge [sflag:s23], $0x3200  }
0x25: {  	[sflag:s23] =	ssyncset.done $0x0  }
0x26: {  	s10 =	simm.s32 $0x6500;
	[sflag:s23] =	ssyncadd.s32 $0xFFFFCE00  }
0x27: {  	v1 =	vld [tilespmem:s10+$0xC0]  }
0x28: {  	v0 =	vld [tilespmem:s10+$0xFFFFFF00]  }
0x29: {  	v11 =	vld [tilespmem:s10+$0xD0]  }
0x2a: {  	v2 =	vld [tilespmem:s10+$0xFFFFFF40]  }
0x2b: {  	v3 =	vld [tilespmem:s10+$0x80]  }
0x2c: {  	v5 =	vld [tilespmem:s10+$0xFFFFFF80]  }
0x2d: {  	v4 =	vimm.f32 $0.0e+00;
	v10 =	vld [tilespmem:s10+$0x90]  }
0x2e: {  	v7 =	vld [tilespmem:s10+$0xFFFFFFC0];
	v6 =	vadd.f32 v0, v4  }
0x2f: {  	v8 =	vld [tilespmem:s10+$0x0]  }
0x30: {  	v9 =	vld [tilespmem:s10+$0xFFFFFF10];
	v6 =	vadd.f32 v2, v6  }
0x31: {  	v12 =	vld [tilespmem:s10+$0x40]  }
0x32: {  	v13 =	vld [tilespmem:s10+$0xFFFFFF50];
	v6 =	vadd.f32 v5, v6  }
0x33: {  	v14 =	vld [tilespmem:s10+$0x50]  }
0x34: {  	v15 =	vld [tilespmem:s10+$0xFFFFFF90];
	v6 =	vadd.f32 v7, v6  }
0x35: {  	v18 =	vld [tilespmem:s10+$0xFFFFFFD0];
	v16 =	vadd.f32 v9, v4  }
0x36: {  	v20 =	vld [tilespmem:s10+$0xFFFFFF20];
	v6 =	vadd.f32 v8, v6  }
0x37: {  	v19 =	vimm.f32 $-Inf;
	v17 =	vld [tilespmem:s10+$0x10];
	v16 =	vadd.f32 v13, v16  }
0x38: {  	v21 =	vld [tilespmem:s10+$0xFFFFFF30];
	v0 =	vmax.f32 v19, v0;
	v6 =	vadd.f32 v12, v6  }
0x39: {  	v22 =	vld [tilespmem:s10+$0xFFFFFF60];
	v0 =	vmax.f32 v0, v2;
	v2 =	vadd.f32 v15, v16  }
0x3a: {  	v0 =	vmax.f32 v0, v5;
	v16 =	vld [tilespmem:s10+$0xFFFFFF70];
	v6 =	vadd.f32 v3, v6  }
0x3b: {  	v23 =	vld [tilespmem:s10+$0xFFFFFFA0];
	v5 =	vmax.f32 v0, v7;
	v2 =	vadd.f32 v18, v2;
	v7 =	vadd.f32 v20, v4  }
0x3c: {  	v24 =	vld [tilespmem:s10+$0xFFFFFFB0];
	v8 =	vmax.f32 v5, v8;
	v0 =	vadd.f32 v1, v6;
	v6 =	vmax.f32 v19, v9  }
0x3d: {  	v2 =	vadd.f32 v17, v2;
	v9 =	vadd.f32 v21, v4;
	v4 =	vld [tilespmem:s10+$0xFFFFFFE0];
	v5 =	vmax.f32 v6, v13  }
0x3e: {  	v7 =	vadd.f32 v22, v7;
	v8 =	vmax.f32 v8, v12;
	v6 =	vmax.f32 v5, v15;
	v5 =	vld [tilespmem:s10+$0xFFFFFFF0]  }
0x3f: {  	v2 =	vadd.f32 v14, v2;
	v9 =	vadd.f32 v16, v9;
	v12 =	vmax.f32 v6, v18;
	v6 =	vld [tilespmem:s10+$0x20]  }
0x40: {  	v3 =	vmax.f32 v8, v3;
	v13 =	vadd.f32 v23, v7;
	v7 =	vld [tilespmem:s10+$0x30];
	v12 =	vmax.f32 v12, v17  }
0x41: {  	v15 =	vadd.f32 v24, v9;
	v9 =	vld [tilespmem:s10+$0x60];
	v12 =	vmax.f32 v12, v14;
	v14 =	vadd.f32 v10, v2  }
0x42: {  	v8 =	vld [tilespmem:s10+$0x70];
	v13 =	vadd.f32 v4, v13;
	v2 =	vmax.f32 v3, v1;
	v12 =	vmax.f32 v12, v10  }
0x43: {  	v10 =	vld [tilespmem:s10+$0xA0];
	v15 =	vadd.f32 v5, v15;
	v3 =	vadd.f32 v11, v14;
	v1 =	vmax.f32 v12, v11  }
0x44: {  	v12 =	vmax.f32 v19, v20;
	v14 =	vmax.f32 v19, v21;
	v11 =	vld [tilespmem:s10+$0xB0];
	v13 =	vadd.f32 v6, v13  }
0x45: {  	v17 =	vmax.f32 v12, v22;
	v16 =	vmax.f32 v14, v16;
	v12 =	vld [tilespmem:s10+$0xE0];
	v14 =	vadd.f32 v7, v15  }
0x46: {  	s0 =	simm.s32 $0x0;
	v17 =	vmax.f32 v17, v23;
	v16 =	vmax.f32 v16, v24;
	v15 =	vadd.f32 v9, v13;
	v13 =	vld [tilespmem:s10+$0xF0];
	s10 =	simm.s32 $0x6700  }
.LBB2_3:
0x47: {  	v18 =	vld [tilespmem:s10+$0xC0];
	v4 =	vmax.f32 v17, v4;
	v5 =	vmax.f32 v16, v5;
	v14 =	vadd.f32 v8, v14  }
0x48: {  	v16 =	vld [tilespmem:s10+$0xFFFFFF00];
	v4 =	vmax.f32 v4, v6;
	v5 =	vmax.f32 v5, v7;
	v6 =	vadd.f32 v10, v15  }
0x49: {  	v15 =	vld [tilespmem:s10+$0xD0];
	v4 =	vmax.f32 v4, v9;
	v5 =	vmax.f32 v5, v8;
	v7 =	vadd.f32 v11, v14  }
0x4a: {  	v8 =	vld [tilespmem:s10+$0xFFFFFF40];
	v4 =	vmax.f32 v4, v10;
	v5 =	vmax.f32 v5, v11;
	v6 =	vadd.f32 v12, v6  }
0x4b: {  	v9 =	vld [tilespmem:s10+$0x80];
	v11 =	vmax.f32 v4, v12;
	v4 =	vadd.f32 v13, v7;
	v12 =	vmax.f32 v5, v13  }
0x4c: {  	v5 =	vld [tilespmem:s10+$0xFFFFFF80]  }
0x4d: {  	v0 =	vadd.f32 v16, v0;
	v10 =	vld [tilespmem:s10+$0x90]  }
0x4e: {  	v7 =	vld [tilespmem:s10+$0xFFFFFFC0]  }
0x4f: {  	v0 =	vadd.f32 v8, v0;
	v13 =	vld [tilespmem:s10+$0x0]  }
0x50: {  	v14 =	vld [tilespmem:s10+$0xFFFFFF10]  }
0x51: {  	v0 =	vadd.f32 v5, v0;
	v17 =	vld [tilespmem:s10+$0x40]  }
0x52: {  	v19 =	vld [tilespmem:s10+$0xFFFFFF50]  }
0x53: {  	v0 =	vadd.f32 v7, v0;
	v20 =	vld [tilespmem:s10+$0x50]  }
0x54: {  	v21 =	vld [tilespmem:s10+$0xFFFFFF90]  }
0x55: {  	v3 =	vadd.f32 v14, v3;
	v0 =	vadd.f32 v13, v0;
	v22 =	vld [tilespmem:s10+$0x10]  }
0x56: {  	v23 =	vld [tilespmem:s10+$0xFFFFFFD0]  }
0x57: {  	v24 =	vld [tilespmem:s10+$0xFFFFFF20];
	v3 =	vadd.f32 v19, v3;
	v0 =	vadd.f32 v17, v0  }
0x58: {  	s0 =	sadd.s32 $0x8, s0;
	v2 =	vmax.f32 v2, v16;
	v16 =	vld [tilespmem:s10+$0xFFFFFF30]  }
0x59: {  	p0 =	slt.u32 s0, $0xC0;
	v2 =	vmax.f32 v2, v8;
	v25 =	vld [tilespmem:s10+$0xFFFFFF60];
	v3 =	vadd.f32 v21, v3;
	v0 =	vadd.f32 v9, v0  }
0x5a: {  	v2 =	vmax.f32 v2, v5;
	v26 =	vld [tilespmem:s10+$0xFFFFFF70]  }
0x5b: {  	v2 =	vmax.f32 v2, v7;
	v27 =	vld [tilespmem:s10+$0xFFFFFFA0];
	v3 =	vadd.f32 v23, v3;
	v0 =	vadd.f32 v18, v0  }
0x5c: {  	v2 =	vmax.f32 v2, v13;
	v1 =	vmax.f32 v1, v14;
	v5 =	vadd.f32 v24, v6;
	v28 =	vld [tilespmem:s10+$0xFFFFFFB0]  }
0x5d: {  	v1 =	vmax.f32 v1, v19;
	v6 =	vadd.f32 v16, v4;
	v4 =	vld [tilespmem:s10+$0xFFFFFFE0];
	v3 =	vadd.f32 v22, v3  }
0x5e: {  	v2 =	vmax.f32 v2, v17;
	v1 =	vmax.f32 v1, v21;
	v7 =	vadd.f32 v25, v5;
	v5 =	vld [tilespmem:s10+$0xFFFFFFF0]  }
0x5f: {  	v1 =	vmax.f32 v1, v23;
	v8 =	vadd.f32 v26, v6;
	v6 =	vld [tilespmem:s10+$0x20];
	v3 =	vadd.f32 v20, v3  }
0x60: {  	v2 =	vmax.f32 v2, v9;
	v1 =	vmax.f32 v1, v22;
	v13 =	vadd.f32 v27, v7;
	v7 =	vld [tilespmem:s10+$0x30]  }
0x61: {  	v1 =	vmax.f32 v1, v20;
	v14 =	vadd.f32 v28, v8;
	v9 =	vld [tilespmem:s10+$0x60];
	v3 =	vadd.f32 v10, v3  }
.Ltmp0:
0x62: {  	v2 =	vmax.f32 v2, v18;
	v1 =	vmax.f32 v1, v10;
	v13 =	vadd.f32 v4, v13;
	v8 =	vld [tilespmem:s10+$0x70];
	(pc) =	sbr.rel @p0 .LBB2_3-.Ltmp0, $4  }
0x63: {  	v1 =	vmax.f32 v1, v15;
	v14 =	vadd.f32 v5, v14;
	v10 =	vld [tilespmem:s10+$0xA0];
	v3 =	vadd.f32 v15, v3  }
0x64: {  	v12 =	vmax.f32 v12, v16;
	v15 =	vmax.f32 v11, v24;
	v13 =	vadd.f32 v6, v13;
	v11 =	vld [tilespmem:s10+$0xB0]  }
0x65: {  	v16 =	vmax.f32 v12, v26;
	v15 =	vmax.f32 v15, v25;
	v14 =	vadd.f32 v7, v14;
	v12 =	vld [tilespmem:s10+$0xE0]  }
0x66: {  	v16 =	vmax.f32 v16, v28;
	v17 =	vmax.f32 v15, v27;
	v15 =	vadd.f32 v9, v13;
	v13 =	vld [tilespmem:s10+$0xF0];
	s10 =	sadd.s32 $0x200, s10  }
0x67: {  	s0 =	sshll.u32 s31, $0x8  }
0x68: {  	v4 =	vmax.f32 v17, v4;
	v14 =	vadd.f32 v8, v14;
	v15 =	vadd.f32 v10, v15;
	[tilespmem:s0+$0x12C00] =	vst v0  }
0x69: {  	v0 =	vmax.f32 v16, v5;
	v4 =	vmax.f32 v4, v6;
	[tilespmem:s0+$0x14C00] =	vst v2  }
0x6a: {  	[tilespmem:s0+$0x12C10] =	vst v3;
	v2 =	vmax.f32 v4, v9;
	v4 =	vadd.f32 v11, v14;
	v5 =	vadd.f32 v12, v15  }
0x6b: {  	p0 =	seq.s32 s31, $0x1F;
	[tilespmem:s0+$0x14C10] =	vst v1;
	v0 =	vmax.f32 v0, v7;
	v2 =	vmax.f32 v2, v10  }
0x6c: {  	s10 =	smul.u32 @!p0 $0xC80, s31;
	v0 =	vmax.f32 v0, v8;
	v1 =	vmax.f32 v2, v12;
	v2 =	vadd.f32 v13, v4;
	[tilespmem:s0+$0x12C20] =	vst v5  }
0x6d: {  	v0 =	vmax.f32 v0, v11;
	[tilespmem:s0+$0x14C20] =	vst v1  }
0x6e: {  	s10 =	sshra.s32 @!p0 s10, $0x2;
	v0 =	vmax.f32 v0, v13;
	[tilespmem:s0+$0x12C30] =	vst v2  }
0x6f: {  	s13 =	simm.s32 @!p0 $0x68;
	s14 =	simm.s32 @!p0 $0x6400;
	s12 =	sadd.s32 @!p0 $0x320, s10;
	[tilespmem:s0+$0x14C30] =	vst v0  }
0x70: {  	[tilespmem:s14], [sflag:$0x1] =	stream.indirect.gather @!p0 [hbm4b:s3+s13], $0x40, s12, s13, $0xb8;
	[tilespmem:$0x16C00] =	vst v63  }
0x71: {  	s12 =	sadd.s32 @!p0 $0x388, s10;
	s13 =	simm.s32 @!p0 $0x60;
	s14 =	simm.s32 @!p0 $0x7E00  }
0x72: {  	[tilespmem:s14], [sflag:$0x1] =	stream.indirect.gather @!p0 [hbm4b:s3+s13], $0x40, s12, s13, $0xb8;
	[tilespmem:$0x16C00] =	vst v63  }
0x73: {  	_ =	swait.ge [sflag:s24], $0x3200  }
0x74: {  	[sflag:s24] =	ssyncset.done $0x0  }
0x75: {  	s14 =	simm.s32 $0x97F0;
	[sflag:s24] =	ssyncadd.s32 $0xFFFFCE00  }
0x76: {  	v1 =	vld [tilespmem:s14+$0xFFFFFFD0]  }
0x77: {  	v0 =	vld [tilespmem:s14+$0xFFFFFE10]  }
0x78: {  	v11 =	vld [tilespmem:s14+$0xFFFFFFE0]  }
0x79: {  	v2 =	vld [tilespmem:s14+$0xFFFFFE50]  }
0x7a: {  	v3 =	vld [tilespmem:s14+$0xFFFFFF90]  }
0x7b: {  	v5 =	vld [tilespmem:s14+$0xFFFFFE90]  }
0x7c: {  	v4 =	vimm.f32 $0.0e+00;
	v10 =	vld [tilespmem:s14+$0xFFFFFFA0]  }
0x7d: {  	v7 =	vld [tilespmem:s14+$0xFFFFFED0];
	v6 =	vadd.f32 v0, v4  }
0x7e: {  	v8 =	vld [tilespmem:s14+$0xFFFFFF10]  }
0x7f: {  	v9 =	vld [tilespmem:s14+$0xFFFFFE20];
	v6 =	vadd.f32 v2, v6  }
0x80: {  	v12 =	vld [tilespmem:s14+$0xFFFFFF50]  }
0x81: {  	v13 =	vld [tilespmem:s14+$0xFFFFFE60];
	v6 =	vadd.f32 v5, v6  }
0x82: {  	v14 =	vld [tilespmem:s14+$0xFFFFFF60]  }
0x83: {  	v15 =	vld [tilespmem:s14+$0xFFFFFEA0];
	v6 =	vadd.f32 v7, v6  }
0x84: {  	v18 =	vld [tilespmem:s14+$0xFFFFFEE0];
	v16 =	vadd.f32 v9, v4  }
0x85: {  	v20 =	vld [tilespmem:s14+$0xFFFFFE30];
	v6 =	vadd.f32 v8, v6  }
0x86: {  	v19 =	vimm.f32 $-Inf;
	v17 =	vld [tilespmem:s14+$0xFFFFFF20];
	v16 =	vadd.f32 v13, v16  }
0x87: {  	v21 =	vld [tilespmem:s14+$0xFFFFFE40];
	v0 =	vmax.f32 v19, v0;
	v6 =	vadd.f32 v12, v6  }
0x88: {  	v22 =	vld [tilespmem:s14+$0xFFFFFE70];
	v0 =	vmax.f32 v0, v2;
	v2 =	vadd.f32 v15, v16  }
0x89: {  	v0 =	vmax.f32 v0, v5;
	v16 =	vld [tilespmem:s14+$0xFFFFFE80];
	v6 =	vadd.f32 v3, v6  }
0x8a: {  	v23 =	vld [tilespmem:s14+$0xFFFFFEB0];
	v5 =	vmax.f32 v0, v7;
	v2 =	vadd.f32 v18, v2;
	v7 =	vadd.f32 v20, v4  }
0x8b: {  	v24 =	vld [tilespmem:s14+$0xFFFFFEC0];
	v8 =	vmax.f32 v5, v8;
	v0 =	vadd.f32 v1, v6;
	v6 =	vmax.f32 v19, v9  }
0x8c: {  	v2 =	vadd.f32 v17, v2;
	v9 =	vadd.f32 v21, v4;
	v4 =	vld [tilespmem:s14+$0xFFFFFEF0];
	v5 =	vmax.f32 v6, v13  }
0x8d: {  	v7 =	vadd.f32 v22, v7;
	v8 =	vmax.f32 v8, v12;
	v6 =	vmax.f32 v5, v15;
	v5 =	vld [tilespmem:s14+$0xFFFFFF00]  }
0x8e: {  	v2 =	vadd.f32 v14, v2;
	v9 =	vadd.f32 v16, v9;
	v12 =	vmax.f32 v6, v18;
	v6 =	vld [tilespmem:s14+$0xFFFFFF30]  }
0x8f: {  	v3 =	vmax.f32 v8, v3;
	v13 =	vadd.f32 v23, v7;
	v7 =	vld [tilespmem:s14+$0xFFFFFF40];
	v12 =	vmax.f32 v12, v17  }
0x90: {  	v15 =	vadd.f32 v24, v9;
	v9 =	vld [tilespmem:s14+$0xFFFFFF70];
	v12 =	vmax.f32 v12, v14;
	v14 =	vadd.f32 v10, v2  }
0x91: {  	v8 =	vld [tilespmem:s14+$0xFFFFFF80];
	v13 =	vadd.f32 v4, v13;
	v2 =	vmax.f32 v3, v1;
	v12 =	vmax.f32 v12, v10  }
0x92: {  	v10 =	vld [tilespmem:s14+$0xFFFFFFB0];
	v15 =	vadd.f32 v5, v15;
	v3 =	vadd.f32 v11, v14;
	v1 =	vmax.f32 v12, v11  }
0x93: {  	v12 =	vmax.f32 v19, v20;
	v14 =	vmax.f32 v19, v21;
	v11 =	vld [tilespmem:s14+$0xFFFFFFC0];
	v13 =	vadd.f32 v6, v13  }
0x94: {  	v17 =	vmax.f32 v12, v22;
	v16 =	vmax.f32 v14, v16;
	v12 =	vld [tilespmem:s14+$0xFFFFFFF0];
	v14 =	vadd.f32 v7, v15  }
0x95: {  	s12 =	simm.s32 $0x0;
	s13 =	simm.s32 $0x99F0;
	v17 =	vmax.f32 v17, v23;
	v16 =	vmax.f32 v16, v24;
	v15 =	vadd.f32 v9, v13;
	v13 =	vld [tilespmem:s14+$0x0]  }
.LBB2_5:
0x96: {  	v18 =	vld [tilespmem:s13+$0xFFFFFFD0];
	v4 =	vmax.f32 v17, v4;
	v5 =	vmax.f32 v16, v5;
	v14 =	vadd.f32 v8, v14  }
0x97: {  	v16 =	vld [tilespmem:s13+$0xFFFFFE10];
	v4 =	vmax.f32 v4, v6;
	v5 =	vmax.f32 v5, v7;
	v6 =	vadd.f32 v10, v15  }
0x98: {  	v15 =	vld [tilespmem:s13+$0xFFFFFFE0];
	v4 =	vmax.f32 v4, v9;
	v5 =	vmax.f32 v5, v8;
	v7 =	vadd.f32 v11, v14  }
0x99: {  	v8 =	vld [tilespmem:s13+$0xFFFFFE50];
	v4 =	vmax.f32 v4, v10;
	v5 =	vmax.f32 v5, v11;
	v6 =	vadd.f32 v12, v6  }
0x9a: {  	v9 =	vld [tilespmem:s13+$0xFFFFFF90];
	v11 =	vmax.f32 v4, v12;
	v4 =	vadd.f32 v13, v7;
	v12 =	vmax.f32 v5, v13  }
0x9b: {  	v5 =	vld [tilespmem:s13+$0xFFFFFE90]  }
0x9c: {  	v0 =	vadd.f32 v16, v0;
	v10 =	vld [tilespmem:s13+$0xFFFFFFA0]  }
0x9d: {  	v7 =	vld [tilespmem:s13+$0xFFFFFED0]  }
0x9e: {  	v0 =	vadd.f32 v8, v0;
	v13 =	vld [tilespmem:s13+$0xFFFFFF10]  }
0x9f: {  	v14 =	vld [tilespmem:s13+$0xFFFFFE20]  }
0xa0: {  	v0 =	vadd.f32 v5, v0;
	v17 =	vld [tilespmem:s13+$0xFFFFFF50]  }
0xa1: {  	v19 =	vld [tilespmem:s13+$0xFFFFFE60]  }
0xa2: {  	v0 =	vadd.f32 v7, v0;
	v20 =	vld [tilespmem:s13+$0xFFFFFF60]  }
0xa3: {  	v21 =	vld [tilespmem:s13+$0xFFFFFEA0]  }
0xa4: {  	v3 =	vadd.f32 v14, v3;
	v0 =	vadd.f32 v13, v0;
	v22 =	vld [tilespmem:s13+$0xFFFFFF20]  }
0xa5: {  	v23 =	vld [tilespmem:s13+$0xFFFFFEE0]  }
0xa6: {  	v24 =	vld [tilespmem:s13+$0xFFFFFE30];
	v3 =	vadd.f32 v19, v3;
	v0 =	vadd.f32 v17, v0  }
0xa7: {  	s12 =	sadd.s32 $0x8, s12;
	v2 =	vmax.f32 v2, v16;
	v16 =	vld [tilespmem:s13+$0xFFFFFE40]  }
0xa8: {  	p1 =	slt.u32 s12, $0xC0;
	v2 =	vmax.f32 v2, v8;
	v25 =	vld [tilespmem:s13+$0xFFFFFE70];
	v3 =	vadd.f32 v21, v3;
	v0 =	vadd.f32 v9, v0  }
0xa9: {  	v2 =	vmax.f32 v2, v5;
	v26 =	vld [tilespmem:s13+$0xFFFFFE80]  }
0xaa: {  	v2 =	vmax.f32 v2, v7;
	v27 =	vld [tilespmem:s13+$0xFFFFFEB0];
	v3 =	vadd.f32 v23, v3;
	v0 =	vadd.f32 v18, v0  }
0xab: {  	v2 =	vmax.f32 v2, v13;
	v1 =	vmax.f32 v1, v14;
	v5 =	vadd.f32 v24, v6;
	v28 =	vld [tilespmem:s13+$0xFFFFFEC0]  }
0xac: {  	v1 =	vmax.f32 v1, v19;
	v6 =	vadd.f32 v16, v4;
	v4 =	vld [tilespmem:s13+$0xFFFFFEF0];
	v3 =	vadd.f32 v22, v3  }
0xad: {  	v2 =	vmax.f32 v2, v17;
	v1 =	vmax.f32 v1, v21;
	v7 =	vadd.f32 v25, v5;
	v5 =	vld [tilespmem:s13+$0xFFFFFF00]  }
0xae: {  	v1 =	vmax.f32 v1, v23;
	v8 =	vadd.f32 v26, v6;
	v6 =	vld [tilespmem:s13+$0xFFFFFF30];
	v3 =	vadd.f32 v20, v3  }
0xaf: {  	v2 =	vmax.f32 v2, v9;
	v1 =	vmax.f32 v1, v22;
	v13 =	vadd.f32 v27, v7;
	v7 =	vld [tilespmem:s13+$0xFFFFFF40]  }
0xb0: {  	v1 =	vmax.f32 v1, v20;
	v14 =	vadd.f32 v28, v8;
	v9 =	vld [tilespmem:s13+$0xFFFFFF70];
	v3 =	vadd.f32 v10, v3  }
.Ltmp1:
0xb1: {  	v2 =	vmax.f32 v2, v18;
	v1 =	vmax.f32 v1, v10;
	v13 =	vadd.f32 v4, v13;
	v8 =	vld [tilespmem:s13+$0xFFFFFF80];
	(pc) =	sbr.rel @p1 .LBB2_5-.Ltmp1, $4  }
0xb2: {  	v1 =	vmax.f32 v1, v15;
	v14 =	vadd.f32 v5, v14;
	v10 =	vld [tilespmem:s13+$0xFFFFFFB0];
	v3 =	vadd.f32 v15, v3  }
0xb3: {  	v12 =	vmax.f32 v12, v16;
	v15 =	vmax.f32 v11, v24;
	v13 =	vadd.f32 v6, v13;
	v11 =	vld [tilespmem:s13+$0xFFFFFFC0]  }
0xb4: {  	v16 =	vmax.f32 v12, v26;
	v15 =	vmax.f32 v15, v25;
	v14 =	vadd.f32 v7, v14;
	v12 =	vld [tilespmem:s13+$0xFFFFFFF0]  }
0xb5: {  	v16 =	vmax.f32 v16, v28;
	v17 =	vmax.f32 v15, v27;
	v15 =	vadd.f32 v9, v13;
	v13 =	vld [tilespmem:s13+$0x0];
	s13 =	sadd.s32 $0x200, s13  }
0xb6: {  	_ = 	snop  }
0xb7: {  	v4 =	vmax.f32 v17, v4;
	[tilespmem:s0+$0x12C40] =	vst v0;
	v15 =	vadd.f32 v10, v15  }
0xb8: {  	v14 =	vadd.f32 v8, v14;
	v0 =	vmax.f32 v16, v5;
	[tilespmem:s0+$0x14C40] =	vst v2;
	v4 =	vmax.f32 v4, v6  }
0xb9: {  	[tilespmem:s0+$0x12C50] =	vst v3;
	v0 =	vmax.f32 v0, v7;
	v2 =	vmax.f32 v4, v9;
	v5 =	vadd.f32 v12, v15  }
0xba: {  	[tilespmem:s0+$0x14C50] =	vst v1;
	v4 =	vadd.f32 v11, v14;
	v0 =	vmax.f32 v0, v8;
	v2 =	vmax.f32 v2, v10  }
0xbb: {  	v0 =	vmax.f32 v0, v11;
	v1 =	vmax.f32 v2, v12;
	[tilespmem:s0+$0x12C60] =	vst v5  }
0xbc: {  	v2 =	vadd.f32 v13, v4;
	v0 =	vmax.f32 v0, v13;
	[tilespmem:s0+$0x14C60] =	vst v1  }
0xbd: {  	[tilespmem:s0+$0x14C70] =	vst v0  }
0xbe: {  	s12 =	sadd.s32 @!p0 $0x3E8, s10;
	s13 =	simm.s32 @!p0 $0x68;
	s14 =	simm.s32 @!p0 $0x9600;
	[tilespmem:s0+$0x12C70] =	vst v2  }
0xbf: {  	[tilespmem:s14], [sflag:$0x2] =	stream.indirect.gather @!p0 [hbm4b:s3+s13], $0x40, s12, s13, $0xb8;
	[tilespmem:$0x16C00] =	vst v63  }
0xc0: {  	s12 =	sadd.s32 @!p0 $0x450, s10;
	s13 =	simm.s32 @!p0 $0x60;
	s14 =	simm.s32 @!p0 $0xB000  }
0xc1: {  	[tilespmem:s14], [sflag:$0x2] =	stream.indirect.gather @!p0 [hbm4b:s3+s13], $0x40, s12, s13, $0xb8;
	[tilespmem:$0x16C00] =	vst v63  }
0xc2: {  	_ =	swait.ge [sflag:s25], $0x3200  }
0xc3: {  	[sflag:s25] =	ssyncset.done $0x0  }
0xc4: {  	s14 =	simm.s32 $0xC800;
	[sflag:s25] =	ssyncadd.s32 $0xFFFFCE00  }
0xc5: {  	v1 =	vld [tilespmem:s14+$0x1C0]  }
0xc6: {  	v0 =	vld [tilespmem:s14+$0x0]  }
0xc7: {  	v11 =	vld [tilespmem:s14+$0x1D0]  }
0xc8: {  	v2 =	vld [tilespmem:s14+$0x40]  }
0xc9: {  	v3 =	vld [tilespmem:s14+$0x180]  }
0xca: {  	v5 =	vld [tilespmem:s14+$0x80]  }
0xcb: {  	v4 =	vimm.f32 $0.0e+00;
	v10 =	vld [tilespmem:s14+$0x190]  }
0xcc: {  	v7 =	vld [tilespmem:s14+$0xC0];
	v6 =	vadd.f32 v0, v4  }
0xcd: {  	v8 =	vld [tilespmem:s14+$0x100]  }
0xce: {  	v9 =	vld [tilespmem:s14+$0x10];
	v6 =	vadd.f32 v2, v6  }
0xcf: {  	v12 =	vld [tilespmem:s14+$0x140]  }
0xd0: {  	v13 =	vld [tilespmem:s14+$0x50];
	v6 =	vadd.f32 v5, v6  }
0xd1: {  	v14 =	vld [tilespmem:s14+$0x150]  }
0xd2: {  	v15 =	vld [tilespmem:s14+$0x90];
	v6 =	vadd.f32 v7, v6  }
0xd3: {  	v18 =	vld [tilespmem:s14+$0xD0];
	v16 =	vadd.f32 v9, v4  }
0xd4: {  	v20 =	vld [tilespmem:s14+$0x20];
	v6 =	vadd.f32 v8, v6  }
0xd5: {  	v19 =	vimm.f32 $-Inf;
	v17 =	vld [tilespmem:s14+$0x110];
	v16 =	vadd.f32 v13, v16  }
0xd6: {  	v21 =	vld [tilespmem:s14+$0x30];
	v0 =	vmax.f32 v19, v0;
	v6 =	vadd.f32 v12, v6  }
0xd7: {  	v22 =	vld [tilespmem:s14+$0x60];
	v0 =	vmax.f32 v0, v2;
	v2 =	vadd.f32 v15, v16  }
0xd8: {  	v0 =	vmax.f32 v0, v5;
	v16 =	vld [tilespmem:s14+$0x70];
	v6 =	vadd.f32 v3, v6  }
0xd9: {  	v23 =	vld [tilespmem:s14+$0xA0];
	v5 =	vmax.f32 v0, v7;
	v2 =	vadd.f32 v18, v2;
	v7 =	vadd.f32 v20, v4  }
0xda: {  	v24 =	vld [tilespmem:s14+$0xB0];
	v8 =	vmax.f32 v5, v8;
	v0 =	vadd.f32 v1, v6;
	v6 =	vmax.f32 v19, v9  }
0xdb: {  	v2 =	vadd.f32 v17, v2;
	v9 =	vadd.f32 v21, v4;
	v4 =	vld [tilespmem:s14+$0xE0];
	v5 =	vmax.f32 v6, v13  }
0xdc: {  	v7 =	vadd.f32 v22, v7;
	v8 =	vmax.f32 v8, v12;
	v6 =	vmax.f32 v5, v15;
	v5 =	vld [tilespmem:s14+$0xF0]  }
0xdd: {  	v2 =	vadd.f32 v14, v2;
	v9 =	vadd.f32 v16, v9;
	v12 =	vmax.f32 v6, v18;
	v6 =	vld [tilespmem:s14+$0x120]  }
0xde: {  	v3 =	vmax.f32 v8, v3;
	v13 =	vadd.f32 v23, v7;
	v7 =	vld [tilespmem:s14+$0x130];
	v12 =	vmax.f32 v12, v17  }
0xdf: {  	v15 =	vadd.f32 v24, v9;
	v9 =	vld [tilespmem:s14+$0x160];
	v12 =	vmax.f32 v12, v14;
	v14 =	vadd.f32 v10, v2  }
0xe0: {  	v8 =	vld [tilespmem:s14+$0x170];
	v13 =	vadd.f32 v4, v13;
	v2 =	vmax.f32 v3, v1;
	v12 =	vmax.f32 v12, v10  }
0xe1: {  	v10 =	vld [tilespmem:s14+$0x1A0];
	v15 =	vadd.f32 v5, v15;
	v3 =	vadd.f32 v11, v14;
	v1 =	vmax.f32 v12, v11  }
0xe2: {  	v12 =	vmax.f32 v19, v20;
	v14 =	vmax.f32 v19, v21;
	v11 =	vld [tilespmem:s14+$0x1B0];
	v13 =	vadd.f32 v6, v13  }
0xe3: {  	v17 =	vmax.f32 v12, v22;
	v16 =	vmax.f32 v14, v16;
	v12 =	vld [tilespmem:s14+$0x1E0];
	v14 =	vadd.f32 v7, v15  }
0xe4: {  	s12 =	simm.s32 $0x0;
	s13 =	simm.s32 $0xCA00;
	v17 =	vmax.f32 v17, v23;
	v16 =	vmax.f32 v16, v24;
	v15 =	vadd.f32 v9, v13;
	v13 =	vld [tilespmem:s14+$0x1F0]  }
.LBB2_7:
0xe5: {  	v18 =	vld [tilespmem:s13+$0x1C0];
	v4 =	vmax.f32 v17, v4;
	v5 =	vmax.f32 v16, v5;
	v14 =	vadd.f32 v8, v14  }
0xe6: {  	v16 =	vld [tilespmem:s13+$0x0];
	v4 =	vmax.f32 v4, v6;
	v5 =	vmax.f32 v5, v7;
	v6 =	vadd.f32 v10, v15  }
0xe7: {  	v15 =	vld [tilespmem:s13+$0x1D0];
	v4 =	vmax.f32 v4, v9;
	v5 =	vmax.f32 v5, v8;
	v7 =	vadd.f32 v11, v14  }
0xe8: {  	v8 =	vld [tilespmem:s13+$0x40];
	v4 =	vmax.f32 v4, v10;
	v5 =	vmax.f32 v5, v11;
	v6 =	vadd.f32 v12, v6  }
0xe9: {  	v9 =	vld [tilespmem:s13+$0x180];
	v11 =	vmax.f32 v4, v12;
	v4 =	vadd.f32 v13, v7;
	v12 =	vmax.f32 v5, v13  }
0xea: {  	v5 =	vld [tilespmem:s13+$0x80]  }
0xeb: {  	v0 =	vadd.f32 v16, v0;
	v10 =	vld [tilespmem:s13+$0x190]  }
0xec: {  	v7 =	vld [tilespmem:s13+$0xC0]  }
0xed: {  	v0 =	vadd.f32 v8, v0;
	v13 =	vld [tilespmem:s13+$0x100]  }
0xee: {  	v14 =	vld [tilespmem:s13+$0x10]  }
0xef: {  	v0 =	vadd.f32 v5, v0;
	v17 =	vld [tilespmem:s13+$0x140]  }
0xf0: {  	v19 =	vld [tilespmem:s13+$0x50]  }
0xf1: {  	v0 =	vadd.f32 v7, v0;
	v20 =	vld [tilespmem:s13+$0x150]  }
0xf2: {  	v21 =	vld [tilespmem:s13+$0x90]  }
0xf3: {  	v3 =	vadd.f32 v14, v3;
	v0 =	vadd.f32 v13, v0;
	v22 =	vld [tilespmem:s13+$0x110]  }
0xf4: {  	v23 =	vld [tilespmem:s13+$0xD0]  }
0xf5: {  	v24 =	vld [tilespmem:s13+$0x20];
	v3 =	vadd.f32 v19, v3;
	v0 =	vadd.f32 v17, v0  }
0xf6: {  	s12 =	sadd.s32 $0x8, s12;
	v2 =	vmax.f32 v2, v16;
	v16 =	vld [tilespmem:s13+$0x30]  }
0xf7: {  	p1 =	slt.u32 s12, $0xC0;
	v2 =	vmax.f32 v2, v8;
	v25 =	vld [tilespmem:s13+$0x60];
	v3 =	vadd.f32 v21, v3;
	v0 =	vadd.f32 v9, v0  }
0xf8: {  	v2 =	vmax.f32 v2, v5;
	v26 =	vld [tilespmem:s13+$0x70]  }
0xf9: {  	v2 =	vmax.f32 v2, v7;
	v27 =	vld [tilespmem:s13+$0xA0];
	v3 =	vadd.f32 v23, v3;
	v0 =	vadd.f32 v18, v0  }
0xfa: {  	v2 =	vmax.f32 v2, v13;
	v1 =	vmax.f32 v1, v14;
	v5 =	vadd.f32 v24, v6;
	v28 =	vld [tilespmem:s13+$0xB0]  }
0xfb: {  	v1 =	vmax.f32 v1, v19;
	v6 =	vadd.f32 v16, v4;
	v4 =	vld [tilespmem:s13+$0xE0];
	v3 =	vadd.f32 v22, v3  }
0xfc: {  	v2 =	vmax.f32 v2, v17;
	v1 =	vmax.f32 v1, v21;
	v7 =	vadd.f32 v25, v5;
	v5 =	vld [tilespmem:s13+$0xF0]  }
0xfd: {  	v1 =	vmax.f32 v1, v23;
	v8 =	vadd.f32 v26, v6;
	v6 =	vld [tilespmem:s13+$0x120];
	v3 =	vadd.f32 v20, v3  }
0xfe: {  	v2 =	vmax.f32 v2, v9;
	v1 =	vmax.f32 v1, v22;
	v13 =	vadd.f32 v27, v7;
	v7 =	vld [tilespmem:s13+$0x130]  }
0xff: {  	v1 =	vmax.f32 v1, v20;
	v14 =	vadd.f32 v28, v8;
	v9 =	vld [tilespmem:s13+$0x160];
	v3 =	vadd.f32 v10, v3  }
.Ltmp2:
0x100: {  	v2 =	vmax.f32 v2, v18;
	v1 =	vmax.f32 v1, v10;
	v13 =	vadd.f32 v4, v13;
	v8 =	vld [tilespmem:s13+$0x170];
	(pc) =	sbr.rel @p1 .LBB2_7-.Ltmp2, $4  }
0x101: {  	v1 =	vmax.f32 v1, v15;
	v14 =	vadd.f32 v5, v14;
	v10 =	vld [tilespmem:s13+$0x1A0];
	v3 =	vadd.f32 v15, v3  }
0x102: {  	v12 =	vmax.f32 v12, v16;
	v15 =	vmax.f32 v11, v24;
	v13 =	vadd.f32 v6, v13;
	v11 =	vld [tilespmem:s13+$0x1B0]  }
0x103: {  	v16 =	vmax.f32 v12, v26;
	v15 =	vmax.f32 v15, v25;
	v14 =	vadd.f32 v7, v14;
	v12 =	vld [tilespmem:s13+$0x1E0]  }
0x104: {  	v16 =	vmax.f32 v16, v28;
	v17 =	vmax.f32 v15, v27;
	v15 =	vadd.f32 v9, v13;
	v13 =	vld [tilespmem:s13+$0x1F0];
	s13 =	sadd.s32 $0x200, s13  }
0x105: {  	_ = 	snop  }
0x106: {  	v4 =	vmax.f32 v17, v4;
	[tilespmem:s0+$0x12C80] =	vst v0;
	v15 =	vadd.f32 v10, v15  }
0x107: {  	v14 =	vadd.f32 v8, v14;
	v0 =	vmax.f32 v16, v5;
	[tilespmem:s0+$0x14C80] =	vst v2;
	v4 =	vmax.f32 v4, v6  }
0x108: {  	[tilespmem:s0+$0x12C90] =	vst v3;
	v0 =	vmax.f32 v0, v7;
	v2 =	vmax.f32 v4, v9;
	v5 =	vadd.f32 v12, v15  }
0x109: {  	[tilespmem:s0+$0x14C90] =	vst v1;
	v4 =	vadd.f32 v11, v14;
	v0 =	vmax.f32 v0, v8;
	v2 =	vmax.f32 v2, v10  }
0x10a: {  	v0 =	vmax.f32 v0, v11;
	v1 =	vmax.f32 v2, v12;
	[tilespmem:s0+$0x12CA0] =	vst v5  }
0x10b: {  	v2 =	vadd.f32 v13, v4;
	v0 =	vmax.f32 v0, v13;
	[tilespmem:s0+$0x14CA0] =	vst v1  }
0x10c: {  	[tilespmem:s0+$0x14CB0] =	vst v0  }
0x10d: {  	s12 =	simm.s32 @!p0 $0x68;
	s13 =	simm.s32 @!p0 $0xC800;
	[tilespmem:s0+$0x12CB0] =	vst v2;
	s0 =	sadd.s32 @!p0 $0x4B0, s10  }
0x10e: {  	[tilespmem:s13], [sflag:$0x3] =	stream.indirect.gather @!p0 [hbm4b:s3+s12], $0x40, s0, s12, $0xb8;
	[tilespmem:$0x16C00] =	vst v63  }
0x10f: {  	s0 =	sadd.s32 @!p0 $0x518, s10;
	s10 =	simm.s32 @!p0 $0x60;
	s12 =	simm.s32 @!p0 $0xE200  }
0x110: {  	[tilespmem:s12], [sflag:$0x3] =	stream.indirect.gather @!p0 [hbm4b:s3+s10], $0x40, s0, s10, $0xb8;
	[tilespmem:$0x16C00] =	vst v63  }
0x111: {  	_ =	swait.ge [sflag:s26], $0x3200  }
0x112: {  	[sflag:s26] =	ssyncset.done $0x0  }
0x113: {  	s14 =	simm.s32 $0xFA00;
	[sflag:s26] =	ssyncadd.s32 $0xFFFFCE00  }
0x114: {  	v1 =	vld [tilespmem:s14+$0x1C0]  }
0x115: {  	v0 =	vld [tilespmem:s14+$0x0]  }
0x116: {  	v11 =	vld [tilespmem:s14+$0x1D0]  }
0x117: {  	v2 =	vld [tilespmem:s14+$0x40]  }
0x118: {  	v3 =	vld [tilespmem:s14+$0x180]  }
0x119: {  	v5 =	vld [tilespmem:s14+$0x80]  }
0x11a: {  	v4 =	vimm.f32 $0.0e+00;
	v10 =	vld [tilespmem:s14+$0x190]  }
0x11b: {  	v7 =	vld [tilespmem:s14+$0xC0];
	v6 =	vadd.f32 v0, v4  }
0x11c: {  	v8 =	vld [tilespmem:s14+$0x100]  }
0x11d: {  	v9 =	vld [tilespmem:s14+$0x10];
	v6 =	vadd.f32 v2, v6  }
0x11e: {  	v12 =	vld [tilespmem:s14+$0x140]  }
0x11f: {  	v13 =	vld [tilespmem:s14+$0x50];
	v6 =	vadd.f32 v5, v6  }
0x120: {  	v14 =	vld [tilespmem:s14+$0x150]  }
0x121: {  	v15 =	vld [tilespmem:s14+$0x90];
	v6 =	vadd.f32 v7, v6  }
0x122: {  	v18 =	vld [tilespmem:s14+$0xD0];
	v16 =	vadd.f32 v9, v4  }
0x123: {  	v20 =	vld [tilespmem:s14+$0x20];
	v6 =	vadd.f32 v8, v6  }
0x124: {  	v19 =	vimm.f32 $-Inf;
	v17 =	vld [tilespmem:s14+$0x110];
	v16 =	vadd.f32 v13, v16  }
0x125: {  	v21 =	vld [tilespmem:s14+$0x30];
	v0 =	vmax.f32 v19, v0;
	v6 =	vadd.f32 v12, v6  }
0x126: {  	v22 =	vld [tilespmem:s14+$0x60];
	v0 =	vmax.f32 v0, v2;
	v2 =	vadd.f32 v15, v16  }
0x127: {  	v0 =	vmax.f32 v0, v5;
	v16 =	vld [tilespmem:s14+$0x70];
	v6 =	vadd.f32 v3, v6  }
0x128: {  	v23 =	vld [tilespmem:s14+$0xA0];
	v5 =	vmax.f32 v0, v7;
	v2 =	vadd.f32 v18, v2;
	v7 =	vadd.f32 v20, v4  }
0x129: {  	v24 =	vld [tilespmem:s14+$0xB0];
	v8 =	vmax.f32 v5, v8;
	v0 =	vadd.f32 v1, v6;
	v6 =	vmax.f32 v19, v9  }
0x12a: {  	v2 =	vadd.f32 v17, v2;
	v9 =	vadd.f32 v21, v4;
	v4 =	vld [tilespmem:s14+$0xE0];
	v5 =	vmax.f32 v6, v13  }
0x12b: {  	v7 =	vadd.f32 v22, v7;
	v8 =	vmax.f32 v8, v12;
	v6 =	vmax.f32 v5, v15;
	v5 =	vld [tilespmem:s14+$0xF0]  }
0x12c: {  	v2 =	vadd.f32 v14, v2;
	v9 =	vadd.f32 v16, v9;
	v12 =	vmax.f32 v6, v18;
	v6 =	vld [tilespmem:s14+$0x120]  }
0x12d: {  	v3 =	vmax.f32 v8, v3;
	v13 =	vadd.f32 v23, v7;
	v7 =	vld [tilespmem:s14+$0x130];
	v12 =	vmax.f32 v12, v17  }
0x12e: {  	v15 =	vadd.f32 v24, v9;
	v9 =	vld [tilespmem:s14+$0x160];
	v12 =	vmax.f32 v12, v14;
	v14 =	vadd.f32 v10, v2  }
0x12f: {  	v8 =	vld [tilespmem:s14+$0x170];
	v13 =	vadd.f32 v4, v13;
	v2 =	vmax.f32 v3, v1;
	v12 =	vmax.f32 v12, v10  }
0x130: {  	v10 =	vld [tilespmem:s14+$0x1A0];
	v15 =	vadd.f32 v5, v15;
	v3 =	vadd.f32 v11, v14;
	v1 =	vmax.f32 v12, v11  }
0x131: {  	v12 =	vmax.f32 v19, v20;
	v14 =	vmax.f32 v19, v21;
	v11 =	vld [tilespmem:s14+$0x1B0];
	v13 =	vadd.f32 v6, v13  }
0x132: {  	v17 =	vmax.f32 v12, v22;
	v16 =	vmax.f32 v14, v16;
	v12 =	vld [tilespmem:s14+$0x1E0];
	v14 =	vadd.f32 v7, v15  }
0x133: {  	s0 =	simm.s32 $0x0;
	s10 =	simm.s32 $0xFC00;
	v17 =	vmax.f32 v17, v23;
	v16 =	vmax.f32 v16, v24;
	v15 =	vadd.f32 v9, v13;
	v13 =	vld [tilespmem:s14+$0x1F0]  }
.LBB2_9:
0x134: {  	v18 =	vld [tilespmem:s10+$0x1C0];
	v4 =	vmax.f32 v17, v4;
	v5 =	vmax.f32 v16, v5;
	v14 =	vadd.f32 v8, v14  }
0x135: {  	v16 =	vld [tilespmem:s10+$0x0];
	v4 =	vmax.f32 v4, v6;
	v5 =	vmax.f32 v5, v7;
	v6 =	vadd.f32 v10, v15  }
0x136: {  	v15 =	vld [tilespmem:s10+$0x1D0];
	v4 =	vmax.f32 v4, v9;
	v5 =	vmax.f32 v5, v8;
	v7 =	vadd.f32 v11, v14  }
0x137: {  	v8 =	vld [tilespmem:s10+$0x40];
	v4 =	vmax.f32 v4, v10;
	v5 =	vmax.f32 v5, v11;
	v6 =	vadd.f32 v12, v6  }
0x138: {  	v9 =	vld [tilespmem:s10+$0x180];
	v11 =	vmax.f32 v4, v12;
	v4 =	vadd.f32 v13, v7;
	v12 =	vmax.f32 v5, v13  }
0x139: {  	v5 =	vld [tilespmem:s10+$0x80]  }
0x13a: {  	v0 =	vadd.f32 v16, v0;
	v10 =	vld [tilespmem:s10+$0x190]  }
0x13b: {  	v7 =	vld [tilespmem:s10+$0xC0]  }
0x13c: {  	v0 =	vadd.f32 v8, v0;
	v13 =	vld [tilespmem:s10+$0x100]  }
0x13d: {  	v14 =	vld [tilespmem:s10+$0x10]  }
0x13e: {  	v0 =	vadd.f32 v5, v0;
	v17 =	vld [tilespmem:s10+$0x140]  }
0x13f: {  	v19 =	vld [tilespmem:s10+$0x50]  }
0x140: {  	v0 =	vadd.f32 v7, v0;
	v20 =	vld [tilespmem:s10+$0x150]  }
0x141: {  	v21 =	vld [tilespmem:s10+$0x90]  }
0x142: {  	v3 =	vadd.f32 v14, v3;
	v0 =	vadd.f32 v13, v0;
	v22 =	vld [tilespmem:s10+$0x110]  }
0x143: {  	v23 =	vld [tilespmem:s10+$0xD0]  }
0x144: {  	v24 =	vld [tilespmem:s10+$0x20];
	v3 =	vadd.f32 v19, v3;
	v0 =	vadd.f32 v17, v0  }
0x145: {  	s0 =	sadd.s32 $0x8, s0;
	v2 =	vmax.f32 v2, v16;
	v16 =	vld [tilespmem:s10+$0x30]  }
0x146: {  	p0 =	slt.u32 s0, $0xC0;
	v2 =	vmax.f32 v2, v8;
	v25 =	vld [tilespmem:s10+$0x60];
	v3 =	vadd.f32 v21, v3;
	v0 =	vadd.f32 v9, v0  }
0x147: {  	v2 =	vmax.f32 v2, v5;
	v26 =	vld [tilespmem:s10+$0x70]  }
0x148: {  	v2 =	vmax.f32 v2, v7;
	v27 =	vld [tilespmem:s10+$0xA0];
	v3 =	vadd.f32 v23, v3;
	v0 =	vadd.f32 v18, v0  }
0x149: {  	v2 =	vmax.f32 v2, v13;
	v1 =	vmax.f32 v1, v14;
	v5 =	vadd.f32 v24, v6;
	v28 =	vld [tilespmem:s10+$0xB0]  }
0x14a: {  	v1 =	vmax.f32 v1, v19;
	v6 =	vadd.f32 v16, v4;
	v4 =	vld [tilespmem:s10+$0xE0];
	v3 =	vadd.f32 v22, v3  }
0x14b: {  	v2 =	vmax.f32 v2, v17;
	v1 =	vmax.f32 v1, v21;
	v7 =	vadd.f32 v25, v5;
	v5 =	vld [tilespmem:s10+$0xF0]  }
0x14c: {  	v1 =	vmax.f32 v1, v23;
	v8 =	vadd.f32 v26, v6;
	v6 =	vld [tilespmem:s10+$0x120];
	v3 =	vadd.f32 v20, v3  }
0x14d: {  	v2 =	vmax.f32 v2, v9;
	v1 =	vmax.f32 v1, v22;
	v13 =	vadd.f32 v27, v7;
	v7 =	vld [tilespmem:s10+$0x130]  }
0x14e: {  	v1 =	vmax.f32 v1, v20;
	v14 =	vadd.f32 v28, v8;
	v9 =	vld [tilespmem:s10+$0x160];
	v3 =	vadd.f32 v10, v3  }
.Ltmp3:
0x14f: {  	v2 =	vmax.f32 v2, v18;
	v1 =	vmax.f32 v1, v10;
	v13 =	vadd.f32 v4, v13;
	v8 =	vld [tilespmem:s10+$0x170];
	(pc) =	sbr.rel @p0 .LBB2_9-.Ltmp3, $4  }
0x150: {  	v1 =	vmax.f32 v1, v15;
	v14 =	vadd.f32 v5, v14;
	v10 =	vld [tilespmem:s10+$0x1A0];
	v3 =	vadd.f32 v15, v3  }
0x151: {  	v12 =	vmax.f32 v12, v16;
	v15 =	vmax.f32 v11, v24;
	v13 =	vadd.f32 v6, v13;
	v11 =	vld [tilespmem:s10+$0x1B0]  }
0x152: {  	v16 =	vmax.f32 v12, v26;
	v15 =	vmax.f32 v15, v25;
	v14 =	vadd.f32 v7, v14;
	v12 =	vld [tilespmem:s10+$0x1E0]  }
0x153: {  	v16 =	vmax.f32 v16, v28;
	v17 =	vmax.f32 v15, v27;
	v15 =	vadd.f32 v9, v13;
	v13 =	vld [tilespmem:s10+$0x1F0];
	s10 =	sadd.s32 $0x200, s10  }
0x154: {  	s0 =	sshll.u32 s1, $0x6  }
0x155: {  	v4 =	vmax.f32 v17, v4;
	v15 =	vadd.f32 v10, v15;
	[tilespmem:s0+$0x12C00] =	vst v0  }
0x156: {  	v14 =	vadd.f32 v8, v14;
	v58 =	vmax.f32 v16, v5;
	s31 =	sadd.s32 $0x1, s31;
	v4 =	vmax.f32 v4, v6;
	[tilespmem:s0+$0x14C00] =	vst v2  }
0x157: {  	[tilespmem:s0+$0x12C10] =	vst v3;
	v0 =	vmax.f32 v58, v7;
	p0 =	sne.s32 s31, $0x20;
	v59 =	vmax.f32 v4, v9;
	v61 =	vadd.f32 v12, v15  }
.Ltmp4:
0x158: {  	[tilespmem:s0+$0x14C10] =	vst v1;
	v60 =	vadd.f32 v11, v14;
	v0 =	vmax.f32 v0, v8;
	v2 =	vmax.f32 v59, v10;
	(pc) =	sbr.rel @p0 .LBB2_2-.Ltmp4, $4  }
0x159: {  	v0 =	vmax.f32 v0, v11;
	v62 =	vmax.f32 v2, v12;
	[tilespmem:s0+$0x12C20] =	vst v61  }
0x15a: {  	v63 =	vadd.f32 v13, v60;
	v0 =	vmax.f32 v0, v13;
	[tilespmem:s0+$0x14C20] =	vst v62  }
0x15b: {  	[tilespmem:s0+$0x14C30] =	vst v0  }
0x15c: {  	[tilespmem:s0+$0x12C30] =	vst v63  }
0x15d: {  	[hbm4b:s5+s2] =	stream.linear.scatter [tilespmem:s28], [sflag:$0x5], $0x2000, $0x38;
	[tilespmem:$0x16C00] =	vst v63  }
0x15e: {  	s30 =	sadd.s32 $0x1, s30;
	_ =	swait.ge [sflag:s8], $0x2000  }
0x15f: {  	p0 =	sne.s32 s30, s7;
	[sflag:s8] =	ssyncset.done $0x0  }
.Ltmp5:
0x160: {  	[sflag:s8] =	ssyncadd.s32 $0xFFFFE000;
	(pc) =	sbr.rel @p0 .LBB2_1-.Ltmp5, $4  }
0x161: {  	[hbm4b:s6+s2] =	stream.linear.scatter [tilespmem:s29], [sflag:$0x5], $0x2000, $0x38;
	[tilespmem:$0x16C00] =	vst v63  }
0x162: {  	_ =	swait.ge [sflag:s8], $0x2000  }
0x163: {  	[sflag:s8] =	ssyncset.done $0x0  }
0x164: {  	[sflag:s8] =	ssyncadd.s32 $0xFFFFE000  }
0x165: {  	_ =	sfence.sel $0x180000  }
0x166: {  	[bflag:$0x0] =	sbarrier.arrive $0xFFFF  }
0x167: {  	_ =	strace $0x90000047  }
0x168: {  	s0 =	stileid.u32;
	[bflag:$0x2] =	sbarrier.arrive $0xFFFF  }
0x169: {  	p0 =	sne.s32 s0, $0x0;
	s0 =	rddreg [dreg:$0x1]  }
0x16a: {  	s0 =	sadd.s32 @!p0 $0x100000, s0  }
0x16b: {  	[sflag:s0] =	ssyncadd.tile.s32 @!p0 $0x1;
	_ =	shalt  }
.Lfunc_end2:
_tile_overlayer_lowered:
.L_overlay_start_2:
0x16c: {  	(tag) =	ssettag $0x2  }
0x16d: {  	s0 =	rddreg [dreg:$0x0];
	s2 =	stileid.u32  }
0x16e: {  	s1 =	rddreg [dreg:$0x1];
	p0 =	sne.s32 s2, $0x0  }
0x16f: {  	s3 =	rddreg [dreg:$0x2];
	[bflag:$0x3] =	sbarrier.arrive $0xFFFF;
	s2 =	simm.s32 @!p0 $0x1C05  }
0x170: {  	[timem:s3], [sflag:s2] =	dma.local @!p0 [hbm:s0], s1  }
0x171: {  	s0 =	simm.s32 @!p0 $0x5  }
0x172: {  	_ =	swait.ge @!p0 [sflag:s0], s1  }
0x173: {  	s1 =	ssub.s32 @!p0 $0x0, s1;
	[sflag:s0] =	ssyncset.done @!p0 $0x0  }
0x174: {  	[sflag:s0] =	ssyncadd.s32 @!p0 s1  }
0x175: {  	[bflag:$0x3] =	sbarrier.arrive $0xFFFF  }
0x176: {  	_ =	shalt  }

</sc_bundles>
